<compile_context>
chip_gen: v7x
topology: tpu7x:2x2x1
jax: 0.10.2.dev20260603
libtpu: 0.0.44.dev20260713+nightly
codegen_flags: <defaults>
</compile_context>

<pallas_src>
import functools

import jax
import jax.numpy as jnp
from jax import lax
from jax.experimental import pallas as pl
from jax.experimental.pallas import tpu as pltpu
from jax.experimental.pallas import tpu_sc as plsc

_VOCAB = 100000
_D = 64
_K = _D + 2
_B = 4096
_CTX = 20
_VB = 2048
_VPAD = ((_VOCAB + _VB - 1) // _VB) * _VB
_NSTEPS = _VPAD // _VB
_OB = 128
_OV = 25088
_LOG2E = 1.4426950408889634


@functools.lru_cache(maxsize=1)
def _make_gather_sum():
    info = plsc.get_sparse_core_info()
    nc, ns, L = info.num_cores, info.num_subcores, info.num_lanes
    nw = nc * ns
    b_per_w = _B // nw
    rows_per_w = b_per_w * _CTX
    G = 128
    ng = rows_per_w // G
    nhalf = 2
    ng_h = ng // nhalf
    rows_h = rows_per_w // nhalf
    b_h = b_per_w // nhalf

    mesh = plsc.VectorSubcoreMesh(core_axis_name="c", subcore_axis_name="s")

    @functools.partial(
        pl.kernel,
        mesh=mesh,
        out_type=jax.ShapeDtypeStruct((_B, _D), jnp.float32),
        scratch_types=[
            pltpu.VMEM((ng, G), jnp.int32),
            pltpu.VMEM((rows_h, _D), jnp.float32),
            pltpu.VMEM((b_per_w, _D), jnp.float32),
            pltpu.SemaphoreType.DMA,
        ],
        compiler_params=pltpu.CompilerParams(use_tc_tiling_on_sc=False),
    )
    def gather_sum(idx_hbm, table_hbm, out_hbm, idx_v, buf_v, acc_v, sem):
        wid = lax.axis_index("s") * nc + lax.axis_index("c")
        pltpu.sync_copy(idx_hbm.at[wid], idx_v)
        for h in range(nhalf):
            copies = []
            for j in range(ng_h):
                copies.append(
                    pltpu.async_copy(
                        table_hbm.at[idx_v.at[h * ng_h + j]],
                        buf_v.at[pl.ds(j * G, G)],
                        sem,
                    )
                )
            for c in copies:
                c.wait()

            def body(b, carry, h=h):
                r0 = b * _CTX
                for l in range(_D // L):
                    sl = pl.ds(l * L, L)
                    a = buf_v[r0, sl]
                    for t in range(1, _CTX):
                        a = a + buf_v[r0 + t, sl]
                    acc_v[h * b_h + b, sl] = a
                return carry

            lax.fori_loop(0, b_h, body, 0)

        pltpu.sync_copy(acc_v, out_hbm.at[pl.ds(wid * b_per_w, b_per_w)])

    return gather_sum


_NB = _B // _OB
_NV = _VPAD // _OV


def _lse_body(x_ref, w_ref, o_ref, s_ref):
    j = pl.program_id(0)
    d = lax.dot_general(
        x_ref[...], w_ref[...], (((1,), (1,)), ((), ())),
        preferred_element_type=jnp.float32,
    )
    p = jnp.exp2(d)
    cols = [p[:, c:c + 128] for c in range(0, _VB, 128)]
    while len(cols) > 1:
        cols = [a + b for a, b in zip(cols[::2], cols[1::2])]
    s_ref[...] = jnp.where(j == 0, cols[0], s_ref[...] + cols[0])

    @pl.when(j == _NSTEPS - 1)
    def _():
        o_ref[...] = jnp.log(jnp.sum(s_ref[...], axis=1, keepdims=True))


def _lse_pass(xs, waug):
    return pl.pallas_call(
        _lse_body,
        grid=(_NSTEPS,),
        in_specs=[
            pl.BlockSpec((_B, _K), lambda j: (0, 0)),
            pl.BlockSpec((_VB, _K), lambda j: (j, 0)),
        ],
        out_specs=pl.BlockSpec((_B, 1), lambda j: (0, 0)),
        out_shape=jax.ShapeDtypeStruct((_B, 1), jnp.float32),
        scratch_shapes=[
            pltpu.VMEM((_B, 128), jnp.float32),
        ],
        compiler_params=pltpu.CompilerParams(
            dimension_semantics=("arbitrary",),
        ),
    )(xs, waug)


def _out_body(x_ref, w_ref, o_ref):
    o_ref[...] = lax.dot_general(
        x_ref[...], w_ref[...], (((1,), (1,)), ((), ())),
        preferred_element_type=jnp.float32,
    ).astype(jnp.bfloat16)


def _out_pass(xaug, waug):
    return pl.pallas_call(
        _out_body,
        grid=(_NV, _NB),
        in_specs=[
            pl.BlockSpec((_OB, _K), lambda v, b: (b, 0)),
            pl.BlockSpec((_OV, _K), lambda v, b: (v, 0)),
        ],
        out_specs=pl.BlockSpec((_OB, _OV), lambda v, b: (b, v)),
        out_shape=jax.ShapeDtypeStruct((_B, _VOCAB), jnp.bfloat16),
        compiler_params=pltpu.CompilerParams(
            dimension_semantics=("arbitrary", "arbitrary"),
        ),
    )(xaug, waug)


def kernel(word_indices, emb_table, lin_w, lin_b):
    idx2d = word_indices.astype(jnp.int32).reshape(32, -1, 128)
    sum_emb = _make_gather_sum()(idx2d, emb_table)

    w_pad = jnp.pad(lin_w, ((0, _VPAD - _VOCAB), (0, 0)))
    b_pad = jnp.pad(lin_b, (0, _VPAD - _VOCAB), constant_values=-1e30)
    waug = jnp.concatenate(
        [w_pad, b_pad[:, None], jnp.full((_VPAD, 1), -1.0, jnp.float32)],
        axis=1,
    ).astype(jnp.bfloat16)

    ones = jnp.ones((_B, 1), jnp.float32)
    xs = jnp.concatenate(
        [sum_emb * _LOG2E, ones * _LOG2E, ones * 0.0], axis=1
    ).astype(jnp.bfloat16)
    lse = _lse_pass(xs, waug)
    xaug = jnp.concatenate([sum_emb, ones, lse], axis=1).astype(jnp.bfloat16)
    return _out_pass(xaug, waug).astype(jnp.float32)

# --- scband reference (transcript-rebuilt; emitter-appended) ---
"""Pipeline reference for scband-cbowmodel-51805895524998 (READ-ONLY COPY).

The authoritative reference and input builder live on the scoring server;
editing this copy changes nothing except your own understanding.
"""

import jax, jax.numpy as jnp
import numpy as np

VOCAB = 100000
EMBED_DIM = 64
BATCH = 4096
CTX = 20


def setup_inputs(seed: int = 0) -> dict:
    key = jax.random.key(seed)
    k_idx, k_emb, k_w, k_b = jax.random.split(key, 4)
    word_indices = jax.random.randint(k_idx, (BATCH, CTX), 0, VOCAB, dtype=jnp.int64 if jax.config.jax_enable_x64 else jnp.int32)
    # nn.Embedding weight initialized uniform(-1, 1)
    emb_table = jax.random.uniform(k_emb, (VOCAB, EMBED_DIM), dtype=jnp.float32, minval=-1.0, maxval=1.0)
    # nn.Linear(embedding_dim, vocab_size): weight [vocab, embed_dim], bias [vocab]
    bound = 1.0 / np.sqrt(EMBED_DIM)
    lin_w = jax.random.uniform(k_w, (VOCAB, EMBED_DIM), dtype=jnp.float32, minval=-bound, maxval=bound)
    lin_b = jax.random.uniform(k_b, (VOCAB,), dtype=jnp.float32, minval=-bound, maxval=bound)
    return {"word_indices": word_indices, "emb_table": emb_table, "lin_w": lin_w, "lin_b": lin_b}


def reference(word_indices, emb_table, lin_w, lin_b):
    # embedding lookup: [B, CTX, D]
    embedded_contexts = jnp.take(emb_table, word_indices, axis=0)
    # sum over context dim: [B, D]
    sum_embedded = jnp.sum(embedded_contexts, axis=1)
    # linear: [B, vocab]
    logits = sum_embedded @ lin_w.T + lin_b
    # log softmax over dim=1
    log_probs = jax.nn.log_softmax(logits, axis=1)
    return log_probs

if __name__ == "__main__":
    import jax
    _d = setup_inputs()
    print(jax.jit(kernel)(*tuple(_d.values())))

</pallas_src>

<mosaic_0001>
#map = affine_map<(d0, d1) -> (0, 0, 0)>
#map1 = affine_map<(d0, d1) -> (0, 0)>
module attributes {stable_mosaic.version = 14 : i64} {
  func.func @gather_sum(%arg0: i32, %arg1: i32, %arg2: memref<32x20x128xi32, #tpu.memory_space<hbm>>, %arg3: memref<100000x64xf32, #tpu.memory_space<hbm>>, %arg4: memref<4096x64xf32, #tpu.memory_space<hbm>>, %arg5: memref<20x128xi32, #tpu.memory_space<vmem>>, %arg6: memref<1280x64xf32, #tpu.memory_space<vmem>>, %arg7: memref<128x64xf32, #tpu.memory_space<vmem>>, %arg8: memref<!tpu.dma_semaphore, #tpu.memory_space<semaphore_mem>>) attributes {dimension_semantics = [#tpu.dimension_semantics<core_parallel>, #tpu.dimension_semantics<subcore_parallel>], iteration_bounds = array<i64: 2, 16>, scalar_prefetch = 0 : i64, scratch_operands = 4 : i64, tpu.core_type = #tpu.core_type<sc_vector_subcore>, window_params = [{transform_indices = #map}, {transform_indices = #map1}, {transform_indices = #map1}]} {
    %mul3A = arith.constant 2 : i32
    %mul3A_0 = arith.muli %arg1, %mul3A : i32
    %add3A = arith.addi %mul3A_0, %arg0 : i32
    "tpu.region"() ({
      %run_scoped3A = tpu.sem_alloc : memref<!tpu.dma_semaphore, #tpu.memory_space<semaphore_mem>>
      %dma_start3A_412 = arith.constant 0 : i32
      %dma_start3A_413 = arith.constant 0 : i32
      %dma_start3A_414 = tpu.memref_slice %arg2[%add3A, %dma_start3A_412, %dma_start3A_413] : memref<32x20x128xi32, #tpu.memory_space<hbm>> -> memref<1x20x128xi32, #tpu.memory_space<hbm>>
      %dma_start3A_415 = tpu.memref_squeeze %dma_start3A_414 : memref<1x20x128xi32, #tpu.memory_space<hbm>> -> memref<20x128xi32, #tpu.memory_space<hbm>>
      %dma_start3A_416 = arith.constant 0 : i32
      %dma_start3A_417 = arith.constant 0 : i32
      %dma_start3A_418 = tpu.memref_slice %arg2[%add3A, %dma_start3A_416, %dma_start3A_417] : memref<32x20x128xi32, #tpu.memory_space<hbm>> -> memref<1x20x128xi32, #tpu.memory_space<hbm>>
      %dma_start3A_419 = tpu.memref_squeeze %dma_start3A_418 : memref<1x20x128xi32, #tpu.memory_space<hbm>> -> memref<20x128xi32, #tpu.memory_space<hbm>>
      tpu.enqueue_dma source(%dma_start3A_419 : memref<20x128xi32, #tpu.memory_space<hbm>>) target(%arg5 : memref<20x128xi32, #tpu.memory_space<vmem>>) target_semaphore(%run_scoped3A : memref<!tpu.dma_semaphore, #tpu.memory_space<semaphore_mem>>)
      %dma_wait3A_420 = arith.constant 0 : i32
      %dma_wait3A_421 = arith.constant 0 : i32
      %dma_wait3A_422 = tpu.memref_slice %arg2[%add3A, %dma_wait3A_420, %dma_wait3A_421] : memref<32x20x128xi32, #tpu.memory_space<hbm>> -> memref<1x20x128xi32, #tpu.memory_space<hbm>>
      %dma_wait3A_423 = tpu.memref_squeeze %dma_wait3A_422 : memref<1x20x128xi32, #tpu.memory_space<hbm>> -> memref<20x128xi32, #tpu.memory_space<hbm>>
      %dma_wait3A_424 = arith.constant 0 : i32
      %dma_wait3A_425 = arith.constant 0 : i32
      %dma_wait3A_426 = tpu.memref_slice %arg2[%add3A, %dma_wait3A_424, %dma_wait3A_425] : memref<32x20x128xi32, #tpu.memory_space<hbm>> -> memref<1x20x128xi32, #tpu.memory_space<hbm>>
      %dma_wait3A_427 = tpu.memref_squeeze %dma_wait3A_426 : memref<1x20x128xi32, #tpu.memory_space<hbm>> -> memref<20x128xi32, #tpu.memory_space<hbm>>
      tpu.wait_dma2 semaphore(%run_scoped3A : memref<!tpu.dma_semaphore, #tpu.memory_space<semaphore_mem>>) src(%dma_wait3A_427 : memref<20x128xi32, #tpu.memory_space<hbm>>) dst(%arg5 : memref<20x128xi32, #tpu.memory_space<vmem>>)
      tpu.yield
    }) : () -> ()
    %dma_start3A = arith.constant 0 : i32
    %dma_start3A_1 = arith.constant 0 : i32
    %dma_start3A_2 = arith.constant 0 : i32
    %dma_start3A_3 = tpu.memref_slice %arg6[%dma_start3A_1, %dma_start3A_2] : memref<1280x64xf32, #tpu.memory_space<vmem>> -> memref<128x64xf32, #tpu.memory_space<vmem>>
    %dma_start3A_4 = arith.constant 0 : i32
    %dma_start3A_5 = tpu.memref_slice %arg5[%dma_start3A, %dma_start3A_4] : memref<20x128xi32, #tpu.memory_space<vmem>> -> memref<1x128xi32, #tpu.memory_space<vmem>>
    %dma_start3A_6 = tpu.memref_squeeze %dma_start3A_5 : memref<1x128xi32, #tpu.memory_space<vmem>> -> memref<128xi32, #tpu.memory_space<vmem>>
    %dma_start3A_7 = arith.constant 0 : i32
    %dma_start3A_8 = arith.constant 0 : i32
    %dma_start3A_9 = tpu.memref_slice %arg3[%dma_start3A_7, %dma_start3A_8] : memref<100000x64xf32, #tpu.memory_space<hbm>> -> memref<100000x64xf32, #tpu.memory_space<hbm>>
    tpu.enqueue_indirect_dma source(%dma_start3A_9 : memref<100000x64xf32, #tpu.memory_space<hbm>>) target(%dma_start3A_3 : memref<128x64xf32, #tpu.memory_space<vmem>>) offsets(%dma_start3A_6 : memref<128xi32, #tpu.memory_space<vmem>>) semaphore(%arg8 : memref<!tpu.dma_semaphore, #tpu.memory_space<semaphore_mem>>)
    %dma_start3A_10 = arith.constant 1 : i32
    %dma_start3A_11 = arith.constant 128 : i32
    %dma_start3A_12 = arith.constant 0 : i32
    %dma_start3A_13 = tpu.memref_slice %arg6[%dma_start3A_11, %dma_start3A_12] : memref<1280x64xf32, #tpu.memory_space<vmem>> -> memref<128x64xf32, #tpu.memory_space<vmem>>
    %dma_start3A_14 = arith.constant 0 : i32
    %dma_start3A_15 = tpu.memref_slice %arg5[%dma_start3A_10, %dma_start3A_14] : memref<20x128xi32, #tpu.memory_space<vmem>> -> memref<1x128xi32, #tpu.memory_space<vmem>>
    %dma_start3A_16 = tpu.memref_squeeze %dma_start3A_15 : memref<1x128xi32, #tpu.memory_space<vmem>> -> memref<128xi32, #tpu.memory_space<vmem>>
    %dma_start3A_17 = arith.constant 0 : i32
    %dma_start3A_18 = arith.constant 0 : i32
    %dma_start3A_19 = tpu.memref_slice %arg3[%dma_start3A_17, %dma_start3A_18] : memref<100000x64xf32, #tpu.memory_space<hbm>> -> memref<100000x64xf32, #tpu.memory_space<hbm>>
    tpu.enqueue_indirect_dma source(%dma_start3A_19 : memref<100000x64xf32, #tpu.memory_space<hbm>>) target(%dma_start3A_13 : memref<128x64xf32, #tpu.memory_space<vmem>>) offsets(%dma_start3A_16 : memref<128xi32, #tpu.memory_space<vmem>>) semaphore(%arg8 : memref<!tpu.dma_semaphore, #tpu.memory_space<semaphore_mem>>)
    %dma_start3A_20 = arith.constant 2 : i32
    %dma_start3A_21 = arith.constant 256 : i32
    %dma_start3A_22 = arith.constant 0 : i32
    %dma_start3A_23 = tpu.memref_slice %arg6[%dma_start3A_21, %dma_start3A_22] : memref<1280x64xf32, #tpu.memory_space<vmem>> -> memref<128x64xf32, #tpu.memory_space<vmem>>
    %dma_start3A_24 = arith.constant 0 : i32
    %dma_start3A_25 = tpu.memref_slice %arg5[%dma_start3A_20, %dma_start3A_24] : memref<20x128xi32, #tpu.memory_space<vmem>> -> memref<1x128xi32, #tpu.memory_space<vmem>>
    %dma_start3A_26 = tpu.memref_squeeze %dma_start3A_25 : memref<1x128xi32, #tpu.memory_space<vmem>> -> memref<128xi32, #tpu.memory_space<vmem>>
    %dma_start3A_27 = arith.constant 0 : i32
    %dma_start3A_28 = arith.constant 0 : i32
    %dma_start3A_29 = tpu.memref_slice %arg3[%dma_start3A_27, %dma_start3A_28] : memref<100000x64xf32, #tpu.memory_space<hbm>> -> memref<100000x64xf32, #tpu.memory_space<hbm>>
    tpu.enqueue_indirect_dma source(%dma_start3A_29 : memref<100000x64xf32, #tpu.memory_space<hbm>>) target(%dma_start3A_23 : memref<128x64xf32, #tpu.memory_space<vmem>>) offsets(%dma_start3A_26 : memref<128xi32, #tpu.memory_space<vmem>>) semaphore(%arg8 : memref<!tpu.dma_semaphore, #tpu.memory_space<semaphore_mem>>)
    %dma_start3A_30 = arith.constant 3 : i32
    %dma_start3A_31 = arith.constant 384 : i32
    %dma_start3A_32 = arith.constant 0 : i32
    %dma_start3A_33 = tpu.memref_slice %arg6[%dma_start3A_31, %dma_start3A_32] : memref<1280x64xf32, #tpu.memory_space<vmem>> -> memref<128x64xf32, #tpu.memory_space<vmem>>
    %dma_start3A_34 = arith.constant 0 : i32
    %dma_start3A_35 = tpu.memref_slice %arg5[%dma_start3A_30, %dma_start3A_34] : memref<20x128xi32, #tpu.memory_space<vmem>> -> memref<1x128xi32, #tpu.memory_space<vmem>>
    %dma_start3A_36 = tpu.memref_squeeze %dma_start3A_35 : memref<1x128xi32, #tpu.memory_space<vmem>> -> memref<128xi32, #tpu.memory_space<vmem>>
    %dma_start3A_37 = arith.constant 0 : i32
    %dma_start3A_38 = arith.constant 0 : i32
    %dma_start3A_39 = tpu.memref_slice %arg3[%dma_start3A_37, %dma_start3A_38] : memref<100000x64xf32, #tpu.memory_space<hbm>> -> memref<100000x64xf32, #tpu.memory_space<hbm>>
    tpu.enqueue_indirect_dma source(%dma_start3A_39 : memref<100000x64xf32, #tpu.memory_space<hbm>>) target(%dma_start3A_33 : memref<128x64xf32, #tpu.memory_space<vmem>>) offsets(%dma_start3A_36 : memref<128xi32, #tpu.memory_space<vmem>>) semaphore(%arg8 : memref<!tpu.dma_semaphore, #tpu.memory_space<semaphore_mem>>)
    %dma_start3A_40 = arith.constant 4 : i32
    %dma_start3A_41 = arith.constant 512 : i32
    %dma_start3A_42 = arith.constant 0 : i32
    %dma_start3A_43 = tpu.memref_slice %arg6[%dma_start3A_41, %dma_start3A_42] : memref<1280x64xf32, #tpu.memory_space<vmem>> -> memref<128x64xf32, #tpu.memory_space<vmem>>
    %dma_start3A_44 = arith.constant 0 : i32
    %dma_start3A_45 = tpu.memref_slice %arg5[%dma_start3A_40, %dma_start3A_44] : memref<20x128xi32, #tpu.memory_space<vmem>> -> memref<1x128xi32, #tpu.memory_space<vmem>>
    %dma_start3A_46 = tpu.memref_squeeze %dma_start3A_45 : memref<1x128xi32, #tpu.memory_space<vmem>> -> memref<128xi32, #tpu.memory_space<vmem>>
    %dma_start3A_47 = arith.constant 0 : i32
    %dma_start3A_48 = arith.constant 0 : i32
    %dma_start3A_49 = tpu.memref_slice %arg3[%dma_start3A_47, %dma_start3A_48] : memref<100000x64xf32, #tpu.memory_space<hbm>> -> memref<100000x64xf32, #tpu.memory_space<hbm>>
    tpu.enqueue_indirect_dma source(%dma_start3A_49 : memref<100000x64xf32, #tpu.memory_space<hbm>>) target(%dma_start3A_43 : memref<128x64xf32, #tpu.memory_space<vmem>>) offsets(%dma_start3A_46 : memref<128xi32, #tpu.memory_space<vmem>>) semaphore(%arg8 : memref<!tpu.dma_semaphore, #tpu.memory_space<semaphore_mem>>)
    %dma_start3A_50 = arith.constant 5 : i32
    %dma_start3A_51 = arith.constant 640 : i32
    %dma_start3A_52 = arith.constant 0 : i32
    %dma_start3A_53 = tpu.memref_slice %arg6[%dma_start3A_51, %dma_start3A_52] : memref<1280x64xf32, #tpu.memory_space<vmem>> -> memref<128x64xf32, #tpu.memory_space<vmem>>
    %dma_start3A_54 = arith.constant 0 : i32
    %dma_start3A_55 = tpu.memref_slice %arg5[%dma_start3A_50, %dma_start3A_54] : memref<20x128xi32, #tpu.memory_space<vmem>> -> memref<1x128xi32, #tpu.memory_space<vmem>>
    %dma_start3A_56 = tpu.memref_squeeze %dma_start3A_55 : memref<1x128xi32, #tpu.memory_space<vmem>> -> memref<128xi32, #tpu.memory_space<vmem>>
    %dma_start3A_57 = arith.constant 0 : i32
    %dma_start3A_58 = arith.constant 0 : i32
    %dma_start3A_59 = tpu.memref_slice %arg3[%dma_start3A_57, %dma_start3A_58] : memref<100000x64xf32, #tpu.memory_space<hbm>> -> memref<100000x64xf32, #tpu.memory_space<hbm>>
    tpu.enqueue_indirect_dma source(%dma_start3A_59 : memref<100000x64xf32, #tpu.memory_space<hbm>>) target(%dma_start3A_53 : memref<128x64xf32, #tpu.memory_space<vmem>>) offsets(%dma_start3A_56 : memref<128xi32, #tpu.memory_space<vmem>>) semaphore(%arg8 : memref<!tpu.dma_semaphore, #tpu.memory_space<semaphore_mem>>)
    %dma_start3A_60 = arith.constant 6 : i32
    %dma_start3A_61 = arith.constant 768 : i32
    %dma_start3A_62 = arith.constant 0 : i32
    %dma_start3A_63 = tpu.memref_slice %arg6[%dma_start3A_61, %dma_start3A_62] : memref<1280x64xf32, #tpu.memory_space<vmem>> -> memref<128x64xf32, #tpu.memory_space<vmem>>
    %dma_start3A_64 = arith.constant 0 : i32
    %dma_start3A_65 = tpu.memref_slice %arg5[%dma_start3A_60, %dma_start3A_64] : memref<20x128xi32, #tpu.memory_space<vmem>> -> memref<1x128xi32, #tpu.memory_space<vmem>>
    %dma_start3A_66 = tpu.memref_squeeze %dma_start3A_65 : memref<1x128xi32, #tpu.memory_space<vmem>> -> memref<128xi32, #tpu.memory_space<vmem>>
    %dma_start3A_67 = arith.constant 0 : i32
    %dma_start3A_68 = arith.constant 0 : i32
    %dma_start3A_69 = tpu.memref_slice %arg3[%dma_start3A_67, %dma_start3A_68] : memref<100000x64xf32, #tpu.memory_space<hbm>> -> memref<100000x64xf32, #tpu.memory_space<hbm>>
    tpu.enqueue_indirect_dma source(%dma_start3A_69 : memref<100000x64xf32, #tpu.memory_space<hbm>>) target(%dma_start3A_63 : memref<128x64xf32, #tpu.memory_space<vmem>>) offsets(%dma_start3A_66 : memref<128xi32, #tpu.memory_space<vmem>>) semaphore(%arg8 : memref<!tpu.dma_semaphore, #tpu.memory_space<semaphore_mem>>)
    %dma_start3A_70 = arith.constant 7 : i32
    %dma_start3A_71 = arith.constant 896 : i32
    %dma_start3A_72 = arith.constant 0 : i32
    %dma_start3A_73 = tpu.memref_slice %arg6[%dma_start3A_71, %dma_start3A_72] : memref<1280x64xf32, #tpu.memory_space<vmem>> -> memref<128x64xf32, #tpu.memory_space<vmem>>
    %dma_start3A_74 = arith.constant 0 : i32
    %dma_start3A_75 = tpu.memref_slice %arg5[%dma_start3A_70, %dma_start3A_74] : memref<20x128xi32, #tpu.memory_space<vmem>> -> memref<1x128xi32, #tpu.memory_space<vmem>>
    %dma_start3A_76 = tpu.memref_squeeze %dma_start3A_75 : memref<1x128xi32, #tpu.memory_space<vmem>> -> memref<128xi32, #tpu.memory_space<vmem>>
    %dma_start3A_77 = arith.constant 0 : i32
    %dma_start3A_78 = arith.constant 0 : i32
    %dma_start3A_79 = tpu.memref_slice %arg3[%dma_start3A_77, %dma_start3A_78] : memref<100000x64xf32, #tpu.memory_space<hbm>> -> memref<100000x64xf32, #tpu.memory_space<hbm>>
    tpu.enqueue_indirect_dma source(%dma_start3A_79 : memref<100000x64xf32, #tpu.memory_space<hbm>>) target(%dma_start3A_73 : memref<128x64xf32, #tpu.memory_space<vmem>>) offsets(%dma_start3A_76 : memref<128xi32, #tpu.memory_space<vmem>>) semaphore(%arg8 : memref<!tpu.dma_semaphore, #tpu.memory_space<semaphore_mem>>)
    %dma_start3A_80 = arith.constant 8 : i32
    %dma_start3A_81 = arith.constant 1024 : i32
    %dma_start3A_82 = arith.constant 0 : i32
    %dma_start3A_83 = tpu.memref_slice %arg6[%dma_start3A_81, %dma_start3A_82] : memref<1280x64xf32, #tpu.memory_space<vmem>> -> memref<128x64xf32, #tpu.memory_space<vmem>>
    %dma_start3A_84 = arith.constant 0 : i32
    %dma_start3A_85 = tpu.memref_slice %arg5[%dma_start3A_80, %dma_start3A_84] : memref<20x128xi32, #tpu.memory_space<vmem>> -> memref<1x128xi32, #tpu.memory_space<vmem>>
    %dma_start3A_86 = tpu.memref_squeeze %dma_start3A_85 : memref<1x128xi32, #tpu.memory_space<vmem>> -> memref<128xi32, #tpu.memory_space<vmem>>
    %dma_start3A_87 = arith.constant 0 : i32
    %dma_start3A_88 = arith.constant 0 : i32
    %dma_start3A_89 = tpu.memref_slice %arg3[%dma_start3A_87, %dma_start3A_88] : memref<100000x64xf32, #tpu.memory_space<hbm>> -> memref<100000x64xf32, #tpu.memory_space<hbm>>
    tpu.enqueue_indirect_dma source(%dma_start3A_89 : memref<100000x64xf32, #tpu.memory_space<hbm>>) target(%dma_start3A_83 : memref<128x64xf32, #tpu.memory_space<vmem>>) offsets(%dma_start3A_86 : memref<128xi32, #tpu.memory_space<vmem>>) semaphore(%arg8 : memref<!tpu.dma_semaphore, #tpu.memory_space<semaphore_mem>>)
    %dma_start3A_90 = arith.constant 9 : i32
    %dma_start3A_91 = arith.constant 1152 : i32
    %dma_start3A_92 = arith.constant 0 : i32
    %dma_start3A_93 = tpu.memref_slice %arg6[%dma_start3A_91, %dma_start3A_92] : memref<1280x64xf32, #tpu.memory_space<vmem>> -> memref<128x64xf32, #tpu.memory_space<vmem>>
    %dma_start3A_94 = arith.constant 0 : i32
    %dma_start3A_95 = tpu.memref_slice %arg5[%dma_start3A_90, %dma_start3A_94] : memref<20x128xi32, #tpu.memory_space<vmem>> -> memref<1x128xi32, #tpu.memory_space<vmem>>
    %dma_start3A_96 = tpu.memref_squeeze %dma_start3A_95 : memref<1x128xi32, #tpu.memory_space<vmem>> -> memref<128xi32, #tpu.memory_space<vmem>>
    %dma_start3A_97 = arith.constant 0 : i32
    %dma_start3A_98 = arith.constant 0 : i32
    %dma_start3A_99 = tpu.memref_slice %arg3[%dma_start3A_97, %dma_start3A_98] : memref<100000x64xf32, #tpu.memory_space<hbm>> -> memref<100000x64xf32, #tpu.memory_space<hbm>>
    tpu.enqueue_indirect_dma source(%dma_start3A_99 : memref<100000x64xf32, #tpu.memory_space<hbm>>) target(%dma_start3A_93 : memref<128x64xf32, #tpu.memory_space<vmem>>) offsets(%dma_start3A_96 : memref<128xi32, #tpu.memory_space<vmem>>) semaphore(%arg8 : memref<!tpu.dma_semaphore, #tpu.memory_space<semaphore_mem>>)
    %dma_wait3A = arith.constant 0 : i32
    %dma_wait3A_100 = arith.constant 0 : i32
    %dma_wait3A_101 = arith.constant 0 : i32
    %dma_wait3A_102 = tpu.memref_slice %arg6[%dma_wait3A_100, %dma_wait3A_101] : memref<1280x64xf32, #tpu.memory_space<vmem>> -> memref<128x64xf32, #tpu.memory_space<vmem>>
    %dma_wait3A_103 = arith.constant 0 : i32
    %dma_wait3A_104 = tpu.memref_slice %arg5[%dma_wait3A, %dma_wait3A_103] : memref<20x128xi32, #tpu.memory_space<vmem>> -> memref<1x128xi32, #tpu.memory_space<vmem>>
    %dma_wait3A_105 = tpu.memref_squeeze %dma_wait3A_104 : memref<1x128xi32, #tpu.memory_space<vmem>> -> memref<128xi32, #tpu.memory_space<vmem>>
    %dma_wait3A_106 = arith.constant 0 : i32
    %dma_wait3A_107 = arith.constant 0 : i32
    %dma_wait3A_108 = tpu.memref_slice %arg3[%dma_wait3A_106, %dma_wait3A_107] : memref<100000x64xf32, #tpu.memory_space<hbm>> -> memref<100000x64xf32, #tpu.memory_space<hbm>>
    tpu.wait_indirect_dma semaphore(%arg8 : memref<!tpu.dma_semaphore, #tpu.memory_space<semaphore_mem>>) src(%dma_wait3A_108 : memref<100000x64xf32, #tpu.memory_space<hbm>>) dst(%dma_wait3A_102 : memref<128x64xf32, #tpu.memory_space<vmem>>)
    %dma_wait3A_109 = arith.constant 1 : i32
    %dma_wait3A_110 = arith.constant 128 : i32
    %dma_wait3A_111 = arith.constant 0 : i32
    %dma_wait3A_112 = tpu.memref_slice %arg6[%dma_wait3A_110, %dma_wait3A_111] : memref<1280x64xf32, #tpu.memory_space<vmem>> -> memref<128x64xf32, #tpu.memory_space<vmem>>
    %dma_wait3A_113 = arith.constant 0 : i32
    %dma_wait3A_114 = tpu.memref_slice %arg5[%dma_wait3A_109, %dma_wait3A_113] : memref<20x128xi32, #tpu.memory_space<vmem>> -> memref<1x128xi32, #tpu.memory_space<vmem>>
    %dma_wait3A_115 = tpu.memref_squeeze %dma_wait3A_114 : memref<1x128xi32, #tpu.memory_space<vmem>> -> memref<128xi32, #tpu.memory_space<vmem>>
    %dma_wait3A_116 = arith.constant 0 : i32
    %dma_wait3A_117 = arith.constant 0 : i32
    %dma_wait3A_118 = tpu.memref_slice %arg3[%dma_wait3A_116, %dma_wait3A_117] : memref<100000x64xf32, #tpu.memory_space<hbm>> -> memref<100000x64xf32, #tpu.memory_space<hbm>>
    tpu.wait_indirect_dma semaphore(%arg8 : memref<!tpu.dma_semaphore, #tpu.memory_space<semaphore_mem>>) src(%dma_wait3A_118 : memref<100000x64xf32, #tpu.memory_space<hbm>>) dst(%dma_wait3A_112 : memref<128x64xf32, #tpu.memory_space<vmem>>)
    %dma_wait3A_119 = arith.constant 2 : i32
    %dma_wait3A_120 = arith.constant 256 : i32
    %dma_wait3A_121 = arith.constant 0 : i32
    %dma_wait3A_122 = tpu.memref_slice %arg6[%dma_wait3A_120, %dma_wait3A_121] : memref<1280x64xf32, #tpu.memory_space<vmem>> -> memref<128x64xf32, #tpu.memory_space<vmem>>
    %dma_wait3A_123 = arith.constant 0 : i32
    %dma_wait3A_124 = tpu.memref_slice %arg5[%dma_wait3A_119, %dma_wait3A_123] : memref<20x128xi32, #tpu.memory_space<vmem>> -> memref<1x128xi32, #tpu.memory_space<vmem>>
    %dma_wait3A_125 = tpu.memref_squeeze %dma_wait3A_124 : memref<1x128xi32, #tpu.memory_space<vmem>> -> memref<128xi32, #tpu.memory_space<vmem>>
    %dma_wait3A_126 = arith.constant 0 : i32
    %dma_wait3A_127 = arith.constant 0 : i32
    %dma_wait3A_128 = tpu.memref_slice %arg3[%dma_wait3A_126, %dma_wait3A_127] : memref<100000x64xf32, #tpu.memory_space<hbm>> -> memref<100000x64xf32, #tpu.memory_space<hbm>>
    tpu.wait_indirect_dma semaphore(%arg8 : memref<!tpu.dma_semaphore, #tpu.memory_space<semaphore_mem>>) src(%dma_wait3A_128 : memref<100000x64xf32, #tpu.memory_space<hbm>>) dst(%dma_wait3A_122 : memref<128x64xf32, #tpu.memory_space<vmem>>)
    %dma_wait3A_129 = arith.constant 3 : i32
    %dma_wait3A_130 = arith.constant 384 : i32
    %dma_wait3A_131 = arith.constant 0 : i32
    %dma_wait3A_132 = tpu.memref_slice %arg6[%dma_wait3A_130, %dma_wait3A_131] : memref<1280x64xf32, #tpu.memory_space<vmem>> -> memref<128x64xf32, #tpu.memory_space<vmem>>
    %dma_wait3A_133 = arith.constant 0 : i32
    %dma_wait3A_134 = tpu.memref_slice %arg5[%dma_wait3A_129, %dma_wait3A_133] : memref<20x128xi32, #tpu.memory_space<vmem>> -> memref<1x128xi32, #tpu.memory_space<vmem>>
    %dma_wait3A_135 = tpu.memref_squeeze %dma_wait3A_134 : memref<1x128xi32, #tpu.memory_space<vmem>> -> memref<128xi32, #tpu.memory_space<vmem>>
    %dma_wait3A_136 = arith.constant 0 : i32
    %dma_wait3A_137 = arith.constant 0 : i32
    %dma_wait3A_138 = tpu.memref_slice %arg3[%dma_wait3A_136, %dma_wait3A_137] : memref<100000x64xf32, #tpu.memory_space<hbm>> -> memref<100000x64xf32, #tpu.memory_space<hbm>>
    tpu.wait_indirect_dma semaphore(%arg8 : memref<!tpu.dma_semaphore, #tpu.memory_space<semaphore_mem>>) src(%dma_wait3A_138 : memref<100000x64xf32, #tpu.memory_space<hbm>>) dst(%dma_wait3A_132 : memref<128x64xf32, #tpu.memory_space<vmem>>)
    %dma_wait3A_139 = arith.constant 4 : i32
    %dma_wait3A_140 = arith.constant 512 : i32
    %dma_wait3A_141 = arith.constant 0 : i32
    %dma_wait3A_142 = tpu.memref_slice %arg6[%dma_wait3A_140, %dma_wait3A_141] : memref<1280x64xf32, #tpu.memory_space<vmem>> -> memref<128x64xf32, #tpu.memory_space<vmem>>
    %dma_wait3A_143 = arith.constant 0 : i32
    %dma_wait3A_144 = tpu.memref_slice %arg5[%dma_wait3A_139, %dma_wait3A_143] : memref<20x128xi32, #tpu.memory_space<vmem>> -> memref<1x128xi32, #tpu.memory_space<vmem>>
    %dma_wait3A_145 = tpu.memref_squeeze %dma_wait3A_144 : memref<1x128xi32, #tpu.memory_space<vmem>> -> memref<128xi32, #tpu.memory_space<vmem>>
    %dma_wait3A_146 = arith.constant 0 : i32
    %dma_wait3A_147 = arith.constant 0 : i32
    %dma_wait3A_148 = tpu.memref_slice %arg3[%dma_wait3A_146, %dma_wait3A_147] : memref<100000x64xf32, #tpu.memory_space<hbm>> -> memref<100000x64xf32, #tpu.memory_space<hbm>>
    tpu.wait_indirect_dma semaphore(%arg8 : memref<!tpu.dma_semaphore, #tpu.memory_space<semaphore_mem>>) src(%dma_wait3A_148 : memref<100000x64xf32, #tpu.memory_space<hbm>>) dst(%dma_wait3A_142 : memref<128x64xf32, #tpu.memory_space<vmem>>)
    %dma_wait3A_149 = arith.constant 5 : i32
    %dma_wait3A_150 = arith.constant 640 : i32
    %dma_wait3A_151 = arith.constant 0 : i32
    %dma_wait3A_152 = tpu.memref_slice %arg6[%dma_wait3A_150, %dma_wait3A_151] : memref<1280x64xf32, #tpu.memory_space<vmem>> -> memref<128x64xf32, #tpu.memory_space<vmem>>
    %dma_wait3A_153 = arith.constant 0 : i32
    %dma_wait3A_154 = tpu.memref_slice %arg5[%dma_wait3A_149, %dma_wait3A_153] : memref<20x128xi32, #tpu.memory_space<vmem>> -> memref<1x128xi32, #tpu.memory_space<vmem>>
    %dma_wait3A_155 = tpu.memref_squeeze %dma_wait3A_154 : memref<1x128xi32, #tpu.memory_space<vmem>> -> memref<128xi32, #tpu.memory_space<vmem>>
    %dma_wait3A_156 = arith.constant 0 : i32
    %dma_wait3A_157 = arith.constant 0 : i32
    %dma_wait3A_158 = tpu.memref_slice %arg3[%dma_wait3A_156, %dma_wait3A_157] : memref<100000x64xf32, #tpu.memory_space<hbm>> -> memref<100000x64xf32, #tpu.memory_space<hbm>>
    tpu.wait_indirect_dma semaphore(%arg8 : memref<!tpu.dma_semaphore, #tpu.memory_space<semaphore_mem>>) src(%dma_wait3A_158 : memref<100000x64xf32, #tpu.memory_space<hbm>>) dst(%dma_wait3A_152 : memref<128x64xf32, #tpu.memory_space<vmem>>)
    %dma_wait3A_159 = arith.constant 6 : i32
    %dma_wait3A_160 = arith.constant 768 : i32
    %dma_wait3A_161 = arith.constant 0 : i32
    %dma_wait3A_162 = tpu.memref_slice %arg6[%dma_wait3A_160, %dma_wait3A_161] : memref<1280x64xf32, #tpu.memory_space<vmem>> -> memref<128x64xf32, #tpu.memory_space<vmem>>
    %dma_wait3A_163 = arith.constant 0 : i32
    %dma_wait3A_164 = tpu.memref_slice %arg5[%dma_wait3A_159, %dma_wait3A_163] : memref<20x128xi32, #tpu.memory_space<vmem>> -> memref<1x128xi32, #tpu.memory_space<vmem>>
    %dma_wait3A_165 = tpu.memref_squeeze %dma_wait3A_164 : memref<1x128xi32, #tpu.memory_space<vmem>> -> memref<128xi32, #tpu.memory_space<vmem>>
    %dma_wait3A_166 = arith.constant 0 : i32
    %dma_wait3A_167 = arith.constant 0 : i32
    %dma_wait3A_168 = tpu.memref_slice %arg3[%dma_wait3A_166, %dma_wait3A_167] : memref<100000x64xf32, #tpu.memory_space<hbm>> -> memref<100000x64xf32, #tpu.memory_space<hbm>>
    tpu.wait_indirect_dma semaphore(%arg8 : memref<!tpu.dma_semaphore, #tpu.memory_space<semaphore_mem>>) src(%dma_wait3A_168 : memref<100000x64xf32, #tpu.memory_space<hbm>>) dst(%dma_wait3A_162 : memref<128x64xf32, #tpu.memory_space<vmem>>)
    %dma_wait3A_169 = arith.constant 7 : i32
    %dma_wait3A_170 = arith.constant 896 : i32
    %dma_wait3A_171 = arith.constant 0 : i32
    %dma_wait3A_172 = tpu.memref_slice %arg6[%dma_wait3A_170, %dma_wait3A_171] : memref<1280x64xf32, #tpu.memory_space<vmem>> -> memref<128x64xf32, #tpu.memory_space<vmem>>
    %dma_wait3A_173 = arith.constant 0 : i32
    %dma_wait3A_174 = tpu.memref_slice %arg5[%dma_wait3A_169, %dma_wait3A_173] : memref<20x128xi32, #tpu.memory_space<vmem>> -> memref<1x128xi32, #tpu.memory_space<vmem>>
    %dma_wait3A_175 = tpu.memref_squeeze %dma_wait3A_174 : memref<1x128xi32, #tpu.memory_space<vmem>> -> memref<128xi32, #tpu.memory_space<vmem>>
    %dma_wait3A_176 = arith.constant 0 : i32
    %dma_wait3A_177 = arith.constant 0 : i32
    %dma_wait3A_178 = tpu.memref_slice %arg3[%dma_wait3A_176, %dma_wait3A_177] : memref<100000x64xf32, #tpu.memory_space<hbm>> -> memref<100000x64xf32, #tpu.memory_space<hbm>>
    tpu.wait_indirect_dma semaphore(%arg8 : memref<!tpu.dma_semaphore, #tpu.memory_space<semaphore_mem>>) src(%dma_wait3A_178 : memref<100000x64xf32, #tpu.memory_space<hbm>>) dst(%dma_wait3A_172 : memref<128x64xf32, #tpu.memory_space<vmem>>)
    %dma_wait3A_179 = arith.constant 8 : i32
    %dma_wait3A_180 = arith.constant 1024 : i32
    %dma_wait3A_181 = arith.constant 0 : i32
    %dma_wait3A_182 = tpu.memref_slice %arg6[%dma_wait3A_180, %dma_wait3A_181] : memref<1280x64xf32, #tpu.memory_space<vmem>> -> memref<128x64xf32, #tpu.memory_space<vmem>>
    %dma_wait3A_183 = arith.constant 0 : i32
    %dma_wait3A_184 = tpu.memref_slice %arg5[%dma_wait3A_179, %dma_wait3A_183] : memref<20x128xi32, #tpu.memory_space<vmem>> -> memref<1x128xi32, #tpu.memory_space<vmem>>
    %dma_wait3A_185 = tpu.memref_squeeze %dma_wait3A_184 : memref<1x128xi32, #tpu.memory_space<vmem>> -> memref<128xi32, #tpu.memory_space<vmem>>
    %dma_wait3A_186 = arith.constant 0 : i32
    %dma_wait3A_187 = arith.constant 0 : i32
    %dma_wait3A_188 = tpu.memref_slice %arg3[%dma_wait3A_186, %dma_wait3A_187] : memref<100000x64xf32, #tpu.memory_space<hbm>> -> memref<100000x64xf32, #tpu.memory_space<hbm>>
    tpu.wait_indirect_dma semaphore(%arg8 : memref<!tpu.dma_semaphore, #tpu.memory_space<semaphore_mem>>) src(%dma_wait3A_188 : memref<100000x64xf32, #tpu.memory_space<hbm>>) dst(%dma_wait3A_182 : memref<128x64xf32, #tpu.memory_space<vmem>>)
    %dma_wait3A_189 = arith.constant 9 : i32
    %dma_wait3A_190 = arith.constant 1152 : i32
    %dma_wait3A_191 = arith.constant 0 : i32
    %dma_wait3A_192 = tpu.memref_slice %arg6[%dma_wait3A_190, %dma_wait3A_191] : memref<1280x64xf32, #tpu.memory_space<vmem>> -> memref<128x64xf32, #tpu.memory_space<vmem>>
    %dma_wait3A_193 = arith.constant 0 : i32
    %dma_wait3A_194 = tpu.memref_slice %arg5[%dma_wait3A_189, %dma_wait3A_193] : memref<20x128xi32, #tpu.memory_space<vmem>> -> memref<1x128xi32, #tpu.memory_space<vmem>>
    %dma_wait3A_195 = tpu.memref_squeeze %dma_wait3A_194 : memref<1x128xi32, #tpu.memory_space<vmem>> -> memref<128xi32, #tpu.memory_space<vmem>>
    %dma_wait3A_196 = arith.constant 0 : i32
    %dma_wait3A_197 = arith.constant 0 : i32
    %dma_wait3A_198 = tpu.memref_slice %arg3[%dma_wait3A_196, %dma_wait3A_197] : memref<100000x64xf32, #tpu.memory_space<hbm>> -> memref<100000x64xf32, #tpu.memory_space<hbm>>
    tpu.wait_indirect_dma semaphore(%arg8 : memref<!tpu.dma_semaphore, #tpu.memory_space<semaphore_mem>>) src(%dma_wait3A_198 : memref<100000x64xf32, #tpu.memory_space<hbm>>) dst(%dma_wait3A_192 : memref<128x64xf32, #tpu.memory_space<vmem>>)
    %scan3A = arith.constant 0 : i32
    %scan3A_199 = arith.constant 0 : i32
    %scan3A_200 = arith.constant 64 : i32
    %scan3A_201 = arith.addi %scan3A_199, %scan3A_200 : i32
    %scan3A_202 = arith.constant 1 : i32
    scf.for %scan3A_412 = %scan3A_199 to %scan3A_201 step %scan3A_202  : i32 {
      %mul3A_413 = arith.constant 20 : i32
      %mul3A_414 = arith.muli %scan3A_412, %mul3A_413 : i32
      %get3A = arith.index_cast %mul3A_414 : i32 to index
      %get3A_415 = arith.constant 0 : index
      %get3A_416 = tpu.vector_load %arg6[%get3A, %get3A_415] {strides = array<i32>} : memref<1280x64xf32, #tpu.memory_space<vmem>>, vector<1x16xf32>,
      %get3A_417 = vector.shape_cast %get3A_416 : vector<1x16xf32> to vector<16xf32>
      %add3A_418 = arith.constant 1 : i32
      %add3A_419 = arith.addi %mul3A_414, %add3A_418 : i32
      %get3A_420 = arith.index_cast %add3A_419 : i32 to index
      %get3A_421 = arith.constant 0 : index
      %get3A_422 = tpu.vector_load %arg6[%get3A_420, %get3A_421] {strides = array<i32>} : memref<1280x64xf32, #tpu.memory_space<vmem>>, vector<1x16xf32>,
      %get3A_423 = vector.shape_cast %get3A_422 : vector<1x16xf32> to vector<16xf32>
      %add3A_424 = arith.addf %get3A_417, %get3A_423 : vector<16xf32>
      %add3A_425 = arith.constant 2 : i32
      %add3A_426 = arith.addi %mul3A_414, %add3A_425 : i32
      %get3A_427 = arith.index_cast %add3A_426 : i32 to index
      %get3A_428 = arith.constant 0 : index
      %get3A_429 = tpu.vector_load %arg6[%get3A_427, %get3A_428] {strides = array<i32>} : memref<1280x64xf32, #tpu.memory_space<vmem>>, vector<1x16xf32>,
      %get3A_430 = vector.shape_cast %get3A_429 : vector<1x16xf32> to vector<16xf32>
      %add3A_431 = arith.addf %add3A_424, %get3A_430 : vector<16xf32>
      %add3A_432 = arith.constant 3 : i32
      %add3A_433 = arith.addi %mul3A_414, %add3A_432 : i32
      %get3A_434 = arith.index_cast %add3A_433 : i32 to index
      %get3A_435 = arith.constant 0 : index
      %get3A_436 = tpu.vector_load %arg6[%get3A_434, %get3A_435] {strides = array<i32>} : memref<1280x64xf32, #tpu.memory_space<vmem>>, vector<1x16xf32>,
      %get3A_437 = vector.shape_cast %get3A_436 : vector<1x16xf32> to vector<16xf32>
      %add3A_438 = arith.addf %add3A_431, %get3A_437 : vector<16xf32>
      %add3A_439 = arith.constant 4 : i32
      %add3A_440 = arith.addi %mul3A_414, %add3A_439 : i32
      %get3A_441 = arith.index_cast %add3A_440 : i32 to index
      %get3A_442 = arith.constant 0 : index
      %get3A_443 = tpu.vector_load %arg6[%get3A_441, %get3A_442] {strides = array<i32>} : memref<1280x64xf32, #tpu.memory_space<vmem>>, vector<1x16xf32>,
      %get3A_444 = vector.shape_cast %get3A_443 : vector<1x16xf32> to vector<16xf32>
      %add3A_445 = arith.addf %add3A_438, %get3A_444 : vector<16xf32>
      %add3A_446 = arith.constant 5 : i32
      %add3A_447 = arith.addi %mul3A_414, %add3A_446 : i32
      %get3A_448 = arith.index_cast %add3A_447 : i32 to index
      %get3A_449 = arith.constant 0 : index
      %get3A_450 = tpu.vector_load %arg6[%get3A_448, %get3A_449] {strides = array<i32>} : memref<1280x64xf32, #tpu.memory_space<vmem>>, vector<1x16xf32>,
      %get3A_451 = vector.shape_cast %get3A_450 : vector<1x16xf32> to vector<16xf32>
      %add3A_452 = arith.addf %add3A_445, %get3A_451 : vector<16xf32>
      %add3A_453 = arith.constant 6 : i32
      %add3A_454 = arith.addi %mul3A_414, %add3A_453 : i32
      %get3A_455 = arith.index_cast %add3A_454 : i32 to index
      %get3A_456 = arith.constant 0 : index
      %get3A_457 = tpu.vector_load %arg6[%get3A_455, %get3A_456] {strides = array<i32>} : memref<1280x64xf32, #tpu.memory_space<vmem>>, vector<1x16xf32>,
      %get3A_458 = vector.shape_cast %get3A_457 : vector<1x16xf32> to vector<16xf32>
      %add3A_459 = arith.addf %add3A_452, %get3A_458 : vector<16xf32>
      %add3A_460 = arith.constant 7 : i32
      %add3A_461 = arith.addi %mul3A_414, %add3A_460 : i32
      %get3A_462 = arith.index_cast %add3A_461 : i32 to index
      %get3A_463 = arith.constant 0 : index
      %get3A_464 = tpu.vector_load %arg6[%get3A_462, %get3A_463] {strides = array<i32>} : memref<1280x64xf32, #tpu.memory_space<vmem>>, vector<1x16xf32>,
      %get3A_465 = vector.shape_cast %get3A_464 : vector<1x16xf32> to vector<16xf32>
      %add3A_466 = arith.addf %add3A_459, %get3A_465 : vector<16xf32>
      %add3A_467 = arith.constant 8 : i32
      %add3A_468 = arith.addi %mul3A_414, %add3A_467 : i32
      %get3A_469 = arith.index_cast %add3A_468 : i32 to index
      %get3A_470 = arith.constant 0 : index
      %get3A_471 = tpu.vector_load %arg6[%get3A_469, %get3A_470] {strides = array<i32>} : memref<1280x64xf32, #tpu.memory_space<vmem>>, vector<1x16xf32>,
      %get3A_472 = vector.shape_cast %get3A_471 : vector<1x16xf32> to vector<16xf32>
      %add3A_473 = arith.addf %add3A_466, %get3A_472 : vector<16xf32>
      %add3A_474 = arith.constant 9 : i32
      %add3A_475 = arith.addi %mul3A_414, %add3A_474 : i32
      %get3A_476 = arith.index_cast %add3A_475 : i32 to index
      %get3A_477 = arith.constant 0 : index
      %get3A_478 = tpu.vector_load %arg6[%get3A_476, %get3A_477] {strides = array<i32>} : memref<1280x64xf32, #tpu.memory_space<vmem>>, vector<1x16xf32>,
      %get3A_479 = vector.shape_cast %get3A_478 : vector<1x16xf32> to vector<16xf32>
      %add3A_480 = arith.addf %add3A_473, %get3A_479 : vector<16xf32>
      %add3A_481 = arith.constant 10 : i32
      %add3A_482 = arith.addi %mul3A_414, %add3A_481 : i32
      %get3A_483 = arith.index_cast %add3A_482 : i32 to index
      %get3A_484 = arith.constant 0 : index
      %get3A_485 = tpu.vector_load %arg6[%get3A_483, %get3A_484] {strides = array<i32>} : memref<1280x64xf32, #tpu.memory_space<vmem>>, vector<1x16xf32>,
      %get3A_486 = vector.shape_cast %get3A_485 : vector<1x16xf32> to vector<16xf32>
      %add3A_487 = arith.addf %add3A_480, %get3A_486 : vector<16xf32>
      %add3A_488 = arith.constant 11 : i32
      %add3A_489 = arith.addi %mul3A_414, %add3A_488 : i32
      %get3A_490 = arith.index_cast %add3A_489 : i32 to index
      %get3A_491 = arith.constant 0 : index
      %get3A_492 = tpu.vector_load %arg6[%get3A_490, %get3A_491] {strides = array<i32>} : memref<1280x64xf32, #tpu.memory_space<vmem>>, vector<1x16xf32>,
      %get3A_493 = vector.shape_cast %get3A_492 : vector<1x16xf32> to vector<16xf32>
      %add3A_494 = arith.addf %add3A_487, %get3A_493 : vector<16xf32>
      %add3A_495 = arith.constant 12 : i32
      %add3A_496 = arith.addi %mul3A_414, %add3A_495 : i32
      %get3A_497 = arith.index_cast %add3A_496 : i32 to index
      %get3A_498 = arith.constant 0 : index
      %get3A_499 = tpu.vector_load %arg6[%get3A_497, %get3A_498] {strides = array<i32>} : memref<1280x64xf32, #tpu.memory_space<vmem>>, vector<1x16xf32>,
      %get3A_500 = vector.shape_cast %get3A_499 : vector<1x16xf32> to vector<16xf32>
      %add3A_501 = arith.addf %add3A_494, %get3A_500 : vector<16xf32>
      %add3A_502 = arith.constant 13 : i32
      %add3A_503 = arith.addi %mul3A_414, %add3A_502 : i32
      %get3A_504 = arith.index_cast %add3A_503 : i32 to index
      %get3A_505 = arith.constant 0 : index
      %get3A_506 = tpu.vector_load %arg6[%get3A_504, %get3A_505] {strides = array<i32>} : memref<1280x64xf32, #tpu.memory_space<vmem>>, vector<1x16xf32>,
      %get3A_507 = vector.shape_cast %get3A_506 : vector<1x16xf32> to vector<16xf32>
      %add3A_508 = arith.addf %add3A_501, %get3A_507 : vector<16xf32>
      %add3A_509 = arith.constant 14 : i32
      %add3A_510 = arith.addi %mul3A_414, %add3A_509 : i32
      %get3A_511 = arith.index_cast %add3A_510 : i32 to index
      %get3A_512 = arith.constant 0 : index
      %get3A_513 = tpu.vector_load %arg6[%get3A_511, %get3A_512] {strides = array<i32>} : memref<1280x64xf32, #tpu.memory_space<vmem>>, vector<1x16xf32>,
      %get3A_514 = vector.shape_cast %get3A_513 : vector<1x16xf32> to vector<16xf32>
      %add3A_515 = arith.addf %add3A_508, %get3A_514 : vector<16xf32>
      %add3A_516 = arith.constant 15 : i32
      %add3A_517 = arith.addi %mul3A_414, %add3A_516 : i32
      %get3A_518 = arith.index_cast %add3A_517 : i32 to index
      %get3A_519 = arith.constant 0 : index
      %get3A_520 = tpu.vector_load %arg6[%get3A_518, %get3A_519] {strides = array<i32>} : memref<1280x64xf32, #tpu.memory_space<vmem>>, vector<1x16xf32>,
      %get3A_521 = vector.shape_cast %get3A_520 : vector<1x16xf32> to vector<16xf32>
      %add3A_522 = arith.addf %add3A_515, %get3A_521 : vector<16xf32>
      %add3A_523 = arith.constant 16 : i32
      %add3A_524 = arith.addi %mul3A_414, %add3A_523 : i32
      %get3A_525 = arith.index_cast %add3A_524 : i32 to index
      %get3A_526 = arith.constant 0 : index
      %get3A_527 = tpu.vector_load %arg6[%get3A_525, %get3A_526] {strides = array<i32>} : memref<1280x64xf32, #tpu.memory_space<vmem>>, vector<1x16xf32>,
      %get3A_528 = vector.shape_cast %get3A_527 : vector<1x16xf32> to vector<16xf32>
      %add3A_529 = arith.addf %add3A_522, %get3A_528 : vector<16xf32>
      %add3A_530 = arith.constant 17 : i32
      %add3A_531 = arith.addi %mul3A_414, %add3A_530 : i32
      %get3A_532 = arith.index_cast %add3A_531 : i32 to index
      %get3A_533 = arith.constant 0 : index
      %get3A_534 = tpu.vector_load %arg6[%get3A_532, %get3A_533] {strides = array<i32>} : memref<1280x64xf32, #tpu.memory_space<vmem>>, vector<1x16xf32>,
      %get3A_535 = vector.shape_cast %get3A_534 : vector<1x16xf32> to vector<16xf32>
      %add3A_536 = arith.addf %add3A_529, %get3A_535 : vector<16xf32>
      %add3A_537 = arith.constant 18 : i32
      %add3A_538 = arith.addi %mul3A_414, %add3A_537 : i32
      %get3A_539 = arith.index_cast %add3A_538 : i32 to index
      %get3A_540 = arith.constant 0 : index
      %get3A_541 = tpu.vector_load %arg6[%get3A_539, %get3A_540] {strides = array<i32>} : memref<1280x64xf32, #tpu.memory_space<vmem>>, vector<1x16xf32>,
      %get3A_542 = vector.shape_cast %get3A_541 : vector<1x16xf32> to vector<16xf32>
      %add3A_543 = arith.addf %add3A_536, %get3A_542 : vector<16xf32>
      %add3A_544 = arith.constant 19 : i32
      %add3A_545 = arith.addi %mul3A_414, %add3A_544 : i32
      %get3A_546 = arith.index_cast %add3A_545 : i32 to index
      %get3A_547 = arith.constant 0 : index
      %get3A_548 = tpu.vector_load %arg6[%get3A_546, %get3A_547] {strides = array<i32>} : memref<1280x64xf32, #tpu.memory_space<vmem>>, vector<1x16xf32>,
      %get3A_549 = vector.shape_cast %get3A_548 : vector<1x16xf32> to vector<16xf32>
      %add3A_550 = arith.addf %add3A_543, %get3A_549 : vector<16xf32>
      %add3A_551 = arith.constant 0 : i32
      %add3A_552 = arith.addi %add3A_551, %scan3A_412 : i32
      %swap3A = arith.index_cast %add3A_552 : i32 to index
      %swap3A_553 = arith.constant 0 : index
      %swap3A_554 = tpu.vector_load %arg7[%swap3A, %swap3A_553] {strides = array<i32>} : memref<128x64xf32, #tpu.memory_space<vmem>>, vector<1x16xf32>,
      %swap3A_555 = vector.shape_cast %swap3A_554 : vector<1x16xf32> to vector<16xf32>
      %swap3A_556 = vector.shape_cast %add3A_550 : vector<16xf32> to vector<1x16xf32>
      tpu.vector_store %arg7[%swap3A, %swap3A_553], %swap3A_556 {strides = array<i32>} : memref<128x64xf32, #tpu.memory_space<vmem>>, vector<1x16xf32>,
      %get3A_557 = arith.index_cast %mul3A_414 : i32 to index
      %get3A_558 = arith.constant 16 : index
      %get3A_559 = tpu.vector_load %arg6[%get3A_557, %get3A_558] {strides = array<i32>} : memref<1280x64xf32, #tpu.memory_space<vmem>>, vector<1x16xf32>,
      %get3A_560 = vector.shape_cast %get3A_559 : vector<1x16xf32> to vector<16xf32>
      %add3A_561 = arith.constant 1 : i32
      %add3A_562 = arith.addi %mul3A_414, %add3A_561 : i32
      %get3A_563 = arith.index_cast %add3A_562 : i32 to index
      %get3A_564 = arith.constant 16 : index
      %get3A_565 = tpu.vector_load %arg6[%get3A_563, %get3A_564] {strides = array<i32>} : memref<1280x64xf32, #tpu.memory_space<vmem>>, vector<1x16xf32>,
      %get3A_566 = vector.shape_cast %get3A_565 : vector<1x16xf32> to vector<16xf32>
      %add3A_567 = arith.addf %get3A_560, %get3A_566 : vector<16xf32>
      %add3A_568 = arith.constant 2 : i32
      %add3A_569 = arith.addi %mul3A_414, %add3A_568 : i32
      %get3A_570 = arith.index_cast %add3A_569 : i32 to index
      %get3A_571 = arith.constant 16 : index
      %get3A_572 = tpu.vector_load %arg6[%get3A_570, %get3A_571] {strides = array<i32>} : memref<1280x64xf32, #tpu.memory_space<vmem>>, vector<1x16xf32>,
      %get3A_573 = vector.shape_cast %get3A_572 : vector<1x16xf32> to vector<16xf32>
      %add3A_574 = arith.addf %add3A_567, %get3A_573 : vector<16xf32>
      %add3A_575 = arith.constant 3 : i32
      %add3A_576 = arith.addi %mul3A_414, %add3A_575 : i32
      %get3A_577 = arith.index_cast %add3A_576 : i32 to index
      %get3A_578 = arith.constant 16 : index
      %get3A_579 = tpu.vector_load %arg6[%get3A_577, %get3A_578] {strides = array<i32>} : memref<1280x64xf32, #tpu.memory_space<vmem>>, vector<1x16xf32>,
      %get3A_580 = vector.shape_cast %get3A_579 : vector<1x16xf32> to vector<16xf32>
      %add3A_581 = arith.addf %add3A_574, %get3A_580 : vector<16xf32>
      %add3A_582 = arith.constant 4 : i32
      %add3A_583 = arith.addi %mul3A_414, %add3A_582 : i32
      %get3A_584 = arith.index_cast %add3A_583 : i32 to index
      %get3A_585 = arith.constant 16 : index
      %get3A_586 = tpu.vector_load %arg6[%get3A_584, %get3A_585] {strides = array<i32>} : memref<1280x64xf32, #tpu.memory_space<vmem>>, vector<1x16xf32>,
      %get3A_587 = vector.shape_cast %get3A_586 : vector<1x16xf32> to vector<16xf32>
      %add3A_588 = arith.addf %add3A_581, %get3A_587 : vector<16xf32>
      %add3A_589 = arith.constant 5 : i32
      %add3A_590 = arith.addi %mul3A_414, %add3A_589 : i32
      %get3A_591 = arith.index_cast %add3A_590 : i32 to index
      %get3A_592 = arith.constant 16 : index
      %get3A_593 = tpu.vector_load %arg6[%get3A_591, %get3A_592] {strides = array<i32>} : memref<1280x64xf32, #tpu.memory_space<vmem>>, vector<1x16xf32>,
      %get3A_594 = vector.shape_cast %get3A_593 : vector<1x16xf32> to vector<16xf32>
      %add3A_595 = arith.addf %add3A_588, %get3A_594 : vector<16xf32>
      %add3A_596 = arith.constant 6 : i32
      %add3A_597 = arith.addi %mul3A_414, %add3A_596 : i32
      %get3A_598 = arith.index_cast %add3A_597 : i32 to index
      %get3A_599 = arith.constant 16 : index
      %get3A_600 = tpu.vector_load %arg6[%get3A_598, %get3A_599] {strides = array<i32>} : memref<1280x64xf32, #tpu.memory_space<vmem>>, vector<1x16xf32>,
      %get3A_601 = vector.shape_cast %get3A_600 : vector<1x16xf32> to vector<16xf32>
      %add3A_602 = arith.addf %add3A_595, %get3A_601 : vector<16xf32>
      %add3A_603 = arith.constant 7 : i32
      %add3A_604 = arith.addi %mul3A_414, %add3A_603 : i32
      %get3A_605 = arith.index_cast %add3A_604 : i32 to index
      %get3A_606 = arith.constant 16 : index
      %get3A_607 = tpu.vector_load %arg6[%get3A_605, %get3A_606] {strides = array<i32>} : memref<1280x64xf32, #tpu.memory_space<vmem>>, vector<1x16xf32>,
      %get3A_608 = vector.shape_cast %get3A_607 : vector<1x16xf32> to vector<16xf32>
      %add3A_609 = arith.addf %add3A_602, %get3A_608 : vector<16xf32>
      %add3A_610 = arith.constant 8 : i32
      %add3A_611 = arith.addi %mul3A_414, %add3A_610 : i32
      %get3A_612 = arith.index_cast %add3A_611 : i32 to index
      %get3A_613 = arith.constant 16 : index
      %get3A_614 = tpu.vector_load %arg6[%get3A_612, %get3A_613] {strides = array<i32>} : memref<1280x64xf32, #tpu.memory_space<vmem>>, vector<1x16xf32>,
      %get3A_615 = vector.shape_cast %get3A_614 : vector<1x16xf32> to vector<16xf32>
      %add3A_616 = arith.addf %add3A_609, %get3A_615 : vector<16xf32>
      %add3A_617 = arith.constant 9 : i32
      %add3A_618 = arith.addi %mul3A_414, %add3A_617 : i32
      %get3A_619 = arith.index_cast %add3A_618 : i32 to index
      %get3A_620 = arith.constant 16 : index
      %get3A_621 = tpu.vector_load %arg6[%get3A_619, %get3A_620] {strides = array<i32>} : memref<1280x64xf32, #tpu.memory_space<vmem>>, vector<1x16xf32>,
      %get3A_622 = vector.shape_cast %get3A_621 : vector<1x16xf32> to vector<16xf32>
      %add3A_623 = arith.addf %add3A_616, %get3A_622 : vector<16xf32>
      %add3A_624 = arith.constant 10 : i32
      %add3A_625 = arith.addi %mul3A_414, %add3A_624 : i32
      %get3A_626 = arith.index_cast %add3A_625 : i32 to index
      %get3A_627 = arith.constant 16 : index
      %get3A_628 = tpu.vector_load %arg6[%get3A_626, %get3A_627] {strides = array<i32>} : memref<1280x64xf32, #tpu.memory_space<vmem>>, vector<1x16xf32>,
      %get3A_629 = vector.shape_cast %get3A_628 : vector<1x16xf32> to vector<16xf32>
      %add3A_630 = arith.addf %add3A_623, %get3A_629 : vector<16xf32>
      %add3A_631 = arith.constant 11 : i32
      %add3A_632 = arith.addi %mul3A_414, %add3A_631 : i32
      %get3A_633 = arith.index_cast %add3A_632 : i32 to index
      %get3A_634 = arith.constant 16 : index
      %get3A_635 = tpu.vector_load %arg6[%get3A_633, %get3A_634] {strides = array<i32>} : memref<1280x64xf32, #tpu.memory_space<vmem>>, vector<1x16xf32>,
      %get3A_636 = vector.shape_cast %get3A_635 : vector<1x16xf32> to vector<16xf32>
      %add3A_637 = arith.addf %add3A_630, %get3A_636 : vector<16xf32>
      %add3A_638 = arith.constant 12 : i32
      %add3A_639 = arith.addi %mul3A_414, %add3A_638 : i32
      %get3A_640 = arith.index_cast %add3A_639 : i32 to index
      %get3A_641 = arith.constant 16 : index
      %get3A_642 = tpu.vector_load %arg6[%get3A_640, %get3A_641] {strides = array<i32>} : memref<1280x64xf32, #tpu.memory_space<vmem>>, vector<1x16xf32>,
      %get3A_643 = vector.shape_cast %get3A_642 : vector<1x16xf32> to vector<16xf32>
      %add3A_644 = arith.addf %add3A_637, %get3A_643 : vector<16xf32>
      %add3A_645 = arith.constant 13 : i32
      %add3A_646 = arith.addi %mul3A_414, %add3A_645 : i32
      %get3A_647 = arith.index_cast %add3A_646 : i32 to index
      %get3A_648 = arith.constant 16 : index
      %get3A_649 = tpu.vector_load %arg6[%get3A_647, %get3A_648] {strides = array<i32>} : memref<1280x64xf32, #tpu.memory_space<vmem>>, vector<1x16xf32>,
      %get3A_650 = vector.shape_cast %get3A_649 : vector<1x16xf32> to vector<16xf32>
      %add3A_651 = arith.addf %add3A_644, %get3A_650 : vector<16xf32>
      %add3A_652 = arith.constant 14 : i32
      %add3A_653 = arith.addi %mul3A_414, %add3A_652 : i32
      %get3A_654 = arith.index_cast %add3A_653 : i32 to index
      %get3A_655 = arith.constant 16 : index
      %get3A_656 = tpu.vector_load %arg6[%get3A_654, %get3A_655] {strides = array<i32>} : memref<1280x64xf32, #tpu.memory_space<vmem>>, vector<1x16xf32>,
      %get3A_657 = vector.shape_cast %get3A_656 : vector<1x16xf32> to vector<16xf32>
      %add3A_658 = arith.addf %add3A_651, %get3A_657 : vector<16xf32>
      %add3A_659 = arith.constant 15 : i32
      %add3A_660 = arith.addi %mul3A_414, %add3A_659 : i32
      %get3A_661 = arith.index_cast %add3A_660 : i32 to index
      %get3A_662 = arith.constant 16 : index
      %get3A_663 = tpu.vector_load %arg6[%get3A_661, %get3A_662] {strides = array<i32>} : memref<1280x64xf32, #tpu.memory_space<vmem>>, vector<1x16xf32>,
      %get3A_664 = vector.shape_cast %get3A_663 : vector<1x16xf32> to vector<16xf32>
      %add3A_665 = arith.addf %add3A_658, %get3A_664 : vector<16xf32>
      %add3A_666 = arith.constant 16 : i32
      %add3A_667 = arith.addi %mul3A_414, %add3A_666 : i32
      %get3A_668 = arith.index_cast %add3A_667 : i32 to index
      %get3A_669 = arith.constant 16 : index
      %get3A_670 = tpu.vector_load %arg6[%get3A_668, %get3A_669] {strides = array<i32>} : memref<1280x64xf32, #tpu.memory_space<vmem>>, vector<1x16xf32>,
      %get3A_671 = vector.shape_cast %get3A_670 : vector<1x16xf32> to vector<16xf32>
      %add3A_672 = arith.addf %add3A_665, %get3A_671 : vector<16xf32>
      %add3A_673 = arith.constant 17 : i32
      %add3A_674 = arith.addi %mul3A_414, %add3A_673 : i32
      %get3A_675 = arith.index_cast %add3A_674 : i32 to index
      %get3A_676 = arith.constant 16 : index
      %get3A_677 = tpu.vector_load %arg6[%get3A_675, %get3A_676] {strides = array<i32>} : memref<1280x64xf32, #tpu.memory_space<vmem>>, vector<1x16xf32>,
      %get3A_678 = vector.shape_cast %get3A_677 : vector<1x16xf32> to vector<16xf32>
      %add3A_679 = arith.addf %add3A_672, %get3A_678 : vector<16xf32>
      %add3A_680 = arith.constant 18 : i32
      %add3A_681 = arith.addi %mul3A_414, %add3A_680 : i32
      %get3A_682 = arith.index_cast %add3A_681 : i32 to index
      %get3A_683 = arith.constant 16 : index
      %get3A_684 = tpu.vector_load %arg6[%get3A_682, %get3A_683] {strides = array<i32>} : memref<1280x64xf32, #tpu.memory_space<vmem>>, vector<1x16xf32>,
      %get3A_685 = vector.shape_cast %get3A_684 : vector<1x16xf32> to vector<16xf32>
      %add3A_686 = arith.addf %add3A_679, %get3A_685 : vector<16xf32>
      %add3A_687 = arith.constant 19 : i32
      %add3A_688 = arith.addi %mul3A_414, %add3A_687 : i32
      %get3A_689 = arith.index_cast %add3A_688 : i32 to index
      %get3A_690 = arith.constant 16 : index
      %get3A_691 = tpu.vector_load %arg6[%get3A_689, %get3A_690] {strides = array<i32>} : memref<1280x64xf32, #tpu.memory_space<vmem>>, vector<1x16xf32>,
      %get3A_692 = vector.shape_cast %get3A_691 : vector<1x16xf32> to vector<16xf32>
      %add3A_693 = arith.addf %add3A_686, %get3A_692 : vector<16xf32>
      %add3A_694 = arith.constant 0 : i32
      %add3A_695 = arith.addi %add3A_694, %scan3A_412 : i32
      %swap3A_696 = arith.index_cast %add3A_695 : i32 to index
      %swap3A_697 = arith.constant 16 : index
      %swap3A_698 = tpu.vector_load %arg7[%swap3A_696, %swap3A_697] {strides = array<i32>} : memref<128x64xf32, #tpu.memory_space<vmem>>, vector<1x16xf32>,
      %swap3A_699 = vector.shape_cast %swap3A_698 : vector<1x16xf32> to vector<16xf32>
      %swap3A_700 = vector.shape_cast %add3A_693 : vector<16xf32> to vector<1x16xf32>
      tpu.vector_store %arg7[%swap3A_696, %swap3A_697], %swap3A_700 {strides = array<i32>} : memref<128x64xf32, #tpu.memory_space<vmem>>, vector<1x16xf32>,
      %get3A_701 = arith.index_cast %mul3A_414 : i32 to index
      %get3A_702 = arith.constant 32 : index
      %get3A_703 = tpu.vector_load %arg6[%get3A_701, %get3A_702] {strides = array<i32>} : memref<1280x64xf32, #tpu.memory_space<vmem>>, vector<1x16xf32>,
      %get3A_704 = vector.shape_cast %get3A_703 : vector<1x16xf32> to vector<16xf32>
      %add3A_705 = arith.constant 1 : i32
      %add3A_706 = arith.addi %mul3A_414, %add3A_705 : i32
      %get3A_707 = arith.index_cast %add3A_706 : i32 to index
      %get3A_708 = arith.constant 32 : index
      %get3A_709 = tpu.vector_load %arg6[%get3A_707, %get3A_708] {strides = array<i32>} : memref<1280x64xf32, #tpu.memory_space<vmem>>, vector<1x16xf32>,
      %get3A_710 = vector.shape_cast %get3A_709 : vector<1x16xf32> to vector<16xf32>
      %add3A_711 = arith.addf %get3A_704, %get3A_710 : vector<16xf32>
      %add3A_712 = arith.constant 2 : i32
      %add3A_713 = arith.addi %mul3A_414, %add3A_712 : i32
      %get3A_714 = arith.index_cast %add3A_713 : i32 to index
      %get3A_715 = arith.constant 32 : index
      %get3A_716 = tpu.vector_load %arg6[%get3A_714, %get3A_715] {strides = array<i32>} : memref<1280x64xf32, #tpu.memory_space<vmem>>, vector<1x16xf32>,
      %get3A_717 = vector.shape_cast %get3A_716 : vector<1x16xf32> to vector<16xf32>
      %add3A_718 = arith.addf %add3A_711, %get3A_717 : vector<16xf32>
      %add3A_719 = arith.constant 3 : i32
      %add3A_720 = arith.addi %mul3A_414, %add3A_719 : i32
      %get3A_721 = arith.index_cast %add3A_720 : i32 to index
      %get3A_722 = arith.constant 32 : index
      %get3A_723 = tpu.vector_load %arg6[%get3A_721, %get3A_722] {strides = array<i32>} : memref<1280x64xf32, #tpu.memory_space<vmem>>, vector<1x16xf32>,
      %get3A_724 = vector.shape_cast %get3A_723 : vector<1x16xf32> to vector<16xf32>
      %add3A_725 = arith.addf %add3A_718, %get3A_724 : vector<16xf32>
      %add3A_726 = arith.constant 4 : i32
      %add3A_727 = arith.addi %mul3A_414, %add3A_726 : i32
      %get3A_728 = arith.index_cast %add3A_727 : i32 to index
      %get3A_729 = arith.constant 32 : index
      %get3A_730 = tpu.vector_load %arg6[%get3A_728, %get3A_729] {strides = array<i32>} : memref<1280x64xf32, #tpu.memory_space<vmem>>, vector<1x16xf32>,
      %get3A_731 = vector.shape_cast %get3A_730 : vector<1x16xf32> to vector<16xf32>
      %add3A_732 = arith.addf %add3A_725, %get3A_731 : vector<16xf32>
      %add3A_733 = arith.constant 5 : i32
      %add3A_734 = arith.addi %mul3A_414, %add3A_733 : i32
      %get3A_735 = arith.index_cast %add3A_734 : i32 to index
      %get3A_736 = arith.constant 32 : index
      %get3A_737 = tpu.vector_load %arg6[%get3A_735, %get3A_736] {strides = array<i32>} : memref<1280x64xf32, #tpu.memory_space<vmem>>, vector<1x16xf32>,
      %get3A_738 = vector.shape_cast %get3A_737 : vector<1x16xf32> to vector<16xf32>
      %add3A_739 = arith.addf %add3A_732, %get3A_738 : vector<16xf32>
      %add3A_740 = arith.constant 6 : i32
      %add3A_741 = arith.addi %mul3A_414, %add3A_740 : i32
      %get3A_742 = arith.index_cast %add3A_741 : i32 to index
      %get3A_743 = arith.constant 32 : index
      %get3A_744 = tpu.vector_load %arg6[%get3A_742, %get3A_743] {strides = array<i32>} : memref<1280x64xf32, #tpu.memory_space<vmem>>, vector<1x16xf32>,
      %get3A_745 = vector.shape_cast %get3A_744 : vector<1x16xf32> to vector<16xf32>
      %add3A_746 = arith.addf %add3A_739, %get3A_745 : vector<16xf32>
      %add3A_747 = arith.constant 7 : i32
      %add3A_748 = arith.addi %mul3A_414, %add3A_747 : i32
      %get3A_749 = arith.index_cast %add3A_748 : i32 to index
      %get3A_750 = arith.constant 32 : index
      %get3A_751 = tpu.vector_load %arg6[%get3A_749, %get3A_750] {strides = array<i32>} : memref<1280x64xf32, #tpu.memory_space<vmem>>, vector<1x16xf32>,
      %get3A_752 = vector.shape_cast %get3A_751 : vector<1x16xf32> to vector<16xf32>
      %add3A_753 = arith.addf %add3A_746, %get3A_752 : vector<16xf32>
      %add3A_754 = arith.constant 8 : i32
      %add3A_755 = arith.addi %mul3A_414, %add3A_754 : i32
      %get3A_756 = arith.index_cast %add3A_755 : i32 to index
      %get3A_757 = arith.constant 32 : index
      %get3A_758 = tpu.vector_load %arg6[%get3A_756, %get3A_757] {strides = array<i32>} : memref<1280x64xf32, #tpu.memory_space<vmem>>, vector<1x16xf32>,
      %get3A_759 = vector.shape_cast %get3A_758 : vector<1x16xf32> to vector<16xf32>
      %add3A_760 = arith.addf %add3A_753, %get3A_759 : vector<16xf32>
      %add3A_761 = arith.constant 9 : i32
      %add3A_762 = arith.addi %mul3A_414, %add3A_761 : i32
      %get3A_763 = arith.index_cast %add3A_762 : i32 to index
      %get3A_764 = arith.constant 32 : index
      %get3A_765 = tpu.vector_load %arg6[%get3A_763, %get3A_764] {strides = array<i32>} : memref<1280x64xf32, #tpu.memory_space<vmem>>, vector<1x16xf32>,
      %get3A_766 = vector.shape_cast %get3A_765 : vector<1x16xf32> to vector<16xf32>
      %add3A_767 = arith.addf %add3A_760, %get3A_766 : vector<16xf32>
      %add3A_768 = arith.constant 10 : i32
      %add3A_769 = arith.addi %mul3A_414, %add3A_768 : i32
      %get3A_770 = arith.index_cast %add3A_769 : i32 to index
      %get3A_771 = arith.constant 32 : index
      %get3A_772 = tpu.vector_load %arg6[%get3A_770, %get3A_771] {strides = array<i32>} : memref<1280x64xf32, #tpu.memory_space<vmem>>, vector<1x16xf32>,
      %get3A_773 = vector.shape_cast %get3A_772 : vector<1x16xf32> to vector<16xf32>
      %add3A_774 = arith.addf %add3A_767, %get3A_773 : vector<16xf32>
      %add3A_775 = arith.constant 11 : i32
      %add3A_776 = arith.addi %mul3A_414, %add3A_775 : i32
      %get3A_777 = arith.index_cast %add3A_776 : i32 to index
      %get3A_778 = arith.constant 32 : index
      %get3A_779 = tpu.vector_load %arg6[%get3A_777, %get3A_778] {strides = array<i32>} : memref<1280x64xf32, #tpu.memory_space<vmem>>, vector<1x16xf32>,
      %get3A_780 = vector.shape_cast %get3A_779 : vector<1x16xf32> to vector<16xf32>
      %add3A_781 = arith.addf %add3A_774, %get3A_780 : vector<16xf32>
      %add3A_782 = arith.constant 12 : i32
      %add3A_783 = arith.addi %mul3A_414, %add3A_782 : i32
      %get3A_784 = arith.index_cast %add3A_783 : i32 to index
      %get3A_785 = arith.constant 32 : index
      %get3A_786 = tpu.vector_load %arg6[%get3A_784, %get3A_785] {strides = array<i32>} : memref<1280x64xf32, #tpu.memory_space<vmem>>, vector<1x16xf32>,
      %get3A_787 = vector.shape_cast %get3A_786 : vector<1x16xf32> to vector<16xf32>
      %add3A_788 = arith.addf %add3A_781, %get3A_787 : vector<16xf32>
      %add3A_789 = arith.constant 13 : i32
      %add3A_790 = arith.addi %mul3A_414, %add3A_789 : i32
      %get3A_791 = arith.index_cast %add3A_790 : i32 to index
      %get3A_792 = arith.constant 32 : index
      %get3A_793 = tpu.vector_load %arg6[%get3A_791, %get3A_792] {strides = array<i32>} : memref<1280x64xf32, #tpu.memory_space<vmem>>, vector<1x16xf32>,
      %get3A_794 = vector.shape_cast %get3A_793 : vector<1x16xf32> to vector<16xf32>
      %add3A_795 = arith.addf %add3A_788, %get3A_794 : vector<16xf32>
      %add3A_796 = arith.constant 14 : i32
      %add3A_797 = arith.addi %mul3A_414, %add3A_796 : i32
      %get3A_798 = arith.index_cast %add3A_797 : i32 to index
      %get3A_799 = arith.constant 32 : index
      %get3A_800 = tpu.vector_load %arg6[%get3A_798, %get3A_799] {strides = array<i32>} : memref<1280x64xf32, #tpu.memory_space<vmem>>, vector<1x16xf32>,
      %get3A_801 = vector.shape_cast %get3A_800 : vector<1x16xf32> to vector<16xf32>
      %add3A_802 = arith.addf %add3A_795, %get3A_801 : vector<16xf32>
      %add3A_803 = arith.constant 15 : i32
      %add3A_804 = arith.addi %mul3A_414, %add3A_803 : i32
      %get3A_805 = arith.index_cast %add3A_804 : i32 to index
      %get3A_806 = arith.constant 32 : index
      %get3A_807 = tpu.vector_load %arg6[%get3A_805, %get3A_806] {strides = array<i32>} : memref<1280x64xf32, #tpu.memory_space<vmem>>, vector<1x16xf32>,
      %get3A_808 = vector.shape_cast %get3A_807 : vector<1x16xf32> to vector<16xf32>
      %add3A_809 = arith.addf %add3A_802, %get3A_808 : vector<16xf32>
      %add3A_810 = arith.constant 16 : i32
      %add3A_811 = arith.addi %mul3A_414, %add3A_810 : i32
      %get3A_812 = arith.index_cast %add3A_811 : i32 to index
      %get3A_813 = arith.constant 32 : index
      %get3A_814 = tpu.vector_load %arg6[%get3A_812, %get3A_813] {strides = array<i32>} : memref<1280x64xf32, #tpu.memory_space<vmem>>, vector<1x16xf32>,
      %get3A_815 = vector.shape_cast %get3A_814 : vector<1x16xf32> to vector<16xf32>
      %add3A_816 = arith.addf %add3A_809, %get3A_815 : vector<16xf32>
      %add3A_817 = arith.constant 17 : i32
      %add3A_818 = arith.addi %mul3A_414, %add3A_817 : i32
      %get3A_819 = arith.index_cast %add3A_818 : i32 to index
      %get3A_820 = arith.constant 32 : index
      %get3A_821 = tpu.vector_load %arg6[%get3A_819, %get3A_820] {strides = array<i32>} : memref<1280x64xf32, #tpu.memory_space<vmem>>, vector<1x16xf32>,
      %get3A_822 = vector.shape_cast %get3A_821 : vector<1x16xf32> to vector<16xf32>
      %add3A_823 = arith.addf %add3A_816, %get3A_822 : vector<16xf32>
      %add3A_824 = arith.constant 18 : i32
      %add3A_825 = arith.addi %mul3A_414, %add3A_824 : i32
      %get3A_826 = arith.index_cast %add3A_825 : i32 to index
      %get3A_827 = arith.constant 32 : index
      %get3A_828 = tpu.vector_load %arg6[%get3A_826, %get3A_827] {strides = array<i32>} : memref<1280x64xf32, #tpu.memory_space<vmem>>, vector<1x16xf32>,
      %get3A_829 = vector.shape_cast %get3A_828 : vector<1x16xf32> to vector<16xf32>
      %add3A_830 = arith.addf %add3A_823, %get3A_829 : vector<16xf32>
      %add3A_831 = arith.constant 19 : i32
      %add3A_832 = arith.addi %mul3A_414, %add3A_831 : i32
      %get3A_833 = arith.index_cast %add3A_832 : i32 to index
      %get3A_834 = arith.constant 32 : index
      %get3A_835 = tpu.vector_load %arg6[%get3A_833, %get3A_834] {strides = array<i32>} : memref<1280x64xf32, #tpu.memory_space<vmem>>, vector<1x16xf32>,
      %get3A_836 = vector.shape_cast %get3A_835 : vector<1x16xf32> to vector<16xf32>
      %add3A_837 = arith.addf %add3A_830, %get3A_836 : vector<16xf32>
      %add3A_838 = arith.constant 0 : i32
      %add3A_839 = arith.addi %add3A_838, %scan3A_412 : i32
      %swap3A_840 = arith.index_cast %add3A_839 : i32 to index
      %swap3A_841 = arith.constant 32 : index
      %swap3A_842 = tpu.vector_load %arg7[%swap3A_840, %swap3A_841] {strides = array<i32>} : memref<128x64xf32, #tpu.memory_space<vmem>>, vector<1x16xf32>,
      %swap3A_843 = vector.shape_cast %swap3A_842 : vector<1x16xf32> to vector<16xf32>
      %swap3A_844 = vector.shape_cast %add3A_837 : vector<16xf32> to vector<1x16xf32>
      tpu.vector_store %arg7[%swap3A_840, %swap3A_841], %swap3A_844 {strides = array<i32>} : memref<128x64xf32, #tpu.memory_space<vmem>>, vector<1x16xf32>,
      %get3A_845 = arith.index_cast %mul3A_414 : i32 to index
      %get3A_846 = arith.constant 48 : index
      %get3A_847 = tpu.vector_load %arg6[%get3A_845, %get3A_846] {strides = array<i32>} : memref<1280x64xf32, #tpu.memory_space<vmem>>, vector<1x16xf32>,
      %get3A_848 = vector.shape_cast %get3A_847 : vector<1x16xf32> to vector<16xf32>
      %add3A_849 = arith.constant 1 : i32
      %add3A_850 = arith.addi %mul3A_414, %add3A_849 : i32
      %get3A_851 = arith.index_cast %add3A_850 : i32 to index
      %get3A_852 = arith.constant 48 : index
      %get3A_853 = tpu.vector_load %arg6[%get3A_851, %get3A_852] {strides = array<i32>} : memref<1280x64xf32, #tpu.memory_space<vmem>>, vector<1x16xf32>,
      %get3A_854 = vector.shape_cast %get3A_853 : vector<1x16xf32> to vector<16xf32>
      %add3A_855 = arith.addf %get3A_848, %get3A_854 : vector<16xf32>
      %add3A_856 = arith.constant 2 : i32
      %add3A_857 = arith.addi %mul3A_414, %add3A_856 : i32
      %get3A_858 = arith.index_cast %add3A_857 : i32 to index
      %get3A_859 = arith.constant 48 : index
      %get3A_860 = tpu.vector_load %arg6[%get3A_858, %get3A_859] {strides = array<i32>} : memref<1280x64xf32, #tpu.memory_space<vmem>>, vector<1x16xf32>,
      %get3A_861 = vector.shape_cast %get3A_860 : vector<1x16xf32> to vector<16xf32>
      %add3A_862 = arith.addf %add3A_855, %get3A_861 : vector<16xf32>
      %add3A_863 = arith.constant 3 : i32
      %add3A_864 = arith.addi %mul3A_414, %add3A_863 : i32
      %get3A_865 = arith.index_cast %add3A_864 : i32 to index
      %get3A_866 = arith.constant 48 : index
      %get3A_867 = tpu.vector_load %arg6[%get3A_865, %get3A_866] {strides = array<i32>} : memref<1280x64xf32, #tpu.memory_space<vmem>>, vector<1x16xf32>,
      %get3A_868 = vector.shape_cast %get3A_867 : vector<1x16xf32> to vector<16xf32>
      %add3A_869 = arith.addf %add3A_862, %get3A_868 : vector<16xf32>
      %add3A_870 = arith.constant 4 : i32
      %add3A_871 = arith.addi %mul3A_414, %add3A_870 : i32
      %get3A_872 = arith.index_cast %add3A_871 : i32 to index
      %get3A_873 = arith.constant 48 : index
      %get3A_874 = tpu.vector_load %arg6[%get3A_872, %get3A_873] {strides = array<i32>} : memref<1280x64xf32, #tpu.memory_space<vmem>>, vector<1x16xf32>,
      %get3A_875 = vector.shape_cast %get3A_874 : vector<1x16xf32> to vector<16xf32>
      %add3A_876 = arith.addf %add3A_869, %get3A_875 : vector<16xf32>
      %add3A_877 = arith.constant 5 : i32
      %add3A_878 = arith.addi %mul3A_414, %add3A_877 : i32
      %get3A_879 = arith.index_cast %add3A_878 : i32 to index
      %get3A_880 = arith.constant 48 : index
      %get3A_881 = tpu.vector_load %arg6[%get3A_879, %get3A_880] {strides = array<i32>} : memref<1280x64xf32, #tpu.memory_space<vmem>>, vector<1x16xf32>,
      %get3A_882 = vector.shape_cast %get3A_881 : vector<1x16xf32> to vector<16xf32>
      %add3A_883 = arith.addf %add3A_876, %get3A_882 : vector<16xf32>
      %add3A_884 = arith.constant 6 : i32
      %add3A_885 = arith.addi %mul3A_414, %add3A_884 : i32
      %get3A_886 = arith.index_cast %add3A_885 : i32 to index
      %get3A_887 = arith.constant 48 : index
      %get3A_888 = tpu.vector_load %arg6[%get3A_886, %get3A_887] {strides = array<i32>} : memref<1280x64xf32, #tpu.memory_space<vmem>>, vector<1x16xf32>,
      %get3A_889 = vector.shape_cast %get3A_888 : vector<1x16xf32> to vector<16xf32>
      %add3A_890 = arith.addf %add3A_883, %get3A_889 : vector<16xf32>
      %add3A_891 = arith.constant 7 : i32
      %add3A_892 = arith.addi %mul3A_414, %add3A_891 : i32
      %get3A_893 = arith.index_cast %add3A_892 : i32 to index
      %get3A_894 = arith.constant 48 : index
      %get3A_895 = tpu.vector_load %arg6[%get3A_893, %get3A_894] {strides = array<i32>} : memref<1280x64xf32, #tpu.memory_space<vmem>>, vector<1x16xf32>,
      %get3A_896 = vector.shape_cast %get3A_895 : vector<1x16xf32> to vector<16xf32>
      %add3A_897 = arith.addf %add3A_890, %get3A_896 : vector<16xf32>
      %add3A_898 = arith.constant 8 : i32
      %add3A_899 = arith.addi %mul3A_414, %add3A_898 : i32
      %get3A_900 = arith.index_cast %add3A_899 : i32 to index
      %get3A_901 = arith.constant 48 : index
      %get3A_902 = tpu.vector_load %arg6[%get3A_900, %get3A_901] {strides = array<i32>} : memref<1280x64xf32, #tpu.memory_space<vmem>>, vector<1x16xf32>,
      %get3A_903 = vector.shape_cast %get3A_902 : vector<1x16xf32> to vector<16xf32>
      %add3A_904 = arith.addf %add3A_897, %get3A_903 : vector<16xf32>
      %add3A_905 = arith.constant 9 : i32
      %add3A_906 = arith.addi %mul3A_414, %add3A_905 : i32
      %get3A_907 = arith.index_cast %add3A_906 : i32 to index
      %get3A_908 = arith.constant 48 : index
      %get3A_909 = tpu.vector_load %arg6[%get3A_907, %get3A_908] {strides = array<i32>} : memref<1280x64xf32, #tpu.memory_space<vmem>>, vector<1x16xf32>,
      %get3A_910 = vector.shape_cast %get3A_909 : vector<1x16xf32> to vector<16xf32>
      %add3A_911 = arith.addf %add3A_904, %get3A_910 : vector<16xf32>
      %add3A_912 = arith.constant 10 : i32
      %add3A_913 = arith.addi %mul3A_414, %add3A_912 : i32
      %get3A_914 = arith.index_cast %add3A_913 : i32 to index
      %get3A_915 = arith.constant 48 : index
      %get3A_916 = tpu.vector_load %arg6[%get3A_914, %get3A_915] {strides = array<i32>} : memref<1280x64xf32, #tpu.memory_space<vmem>>, vector<1x16xf32>,
      %get3A_917 = vector.shape_cast %get3A_916 : vector<1x16xf32> to vector<16xf32>
      %add3A_918 = arith.addf %add3A_911, %get3A_917 : vector<16xf32>
      %add3A_919 = arith.constant 11 : i32
      %add3A_920 = arith.addi %mul3A_414, %add3A_919 : i32
      %get3A_921 = arith.index_cast %add3A_920 : i32 to index
      %get3A_922 = arith.constant 48 : index
      %get3A_923 = tpu.vector_load %arg6[%get3A_921, %get3A_922] {strides = array<i32>} : memref<1280x64xf32, #tpu.memory_space<vmem>>, vector<1x16xf32>,
      %get3A_924 = vector.shape_cast %get3A_923 : vector<1x16xf32> to vector<16xf32>
      %add3A_925 = arith.addf %add3A_918, %get3A_924 : vector<16xf32>
      %add3A_926 = arith.constant 12 : i32
      %add3A_927 = arith.addi %mul3A_414, %add3A_926 : i32
      %get3A_928 = arith.index_cast %add3A_927 : i32 to index
      %get3A_929 = arith.constant 48 : index
      %get3A_930 = tpu.vector_load %arg6[%get3A_928, %get3A_929] {strides = array<i32>} : memref<1280x64xf32, #tpu.memory_space<vmem>>, vector<1x16xf32>,
      %get3A_931 = vector.shape_cast %get3A_930 : vector<1x16xf32> to vector<16xf32>
      %add3A_932 = arith.addf %add3A_925, %get3A_931 : vector<16xf32>
      %add3A_933 = arith.constant 13 : i32
      %add3A_934 = arith.addi %mul3A_414, %add3A_933 : i32
      %get3A_935 = arith.index_cast %add3A_934 : i32 to index
      %get3A_936 = arith.constant 48 : index
      %get3A_937 = tpu.vector_load %arg6[%get3A_935, %get3A_936] {strides = array<i32>} : memref<1280x64xf32, #tpu.memory_space<vmem>>, vector<1x16xf32>,
      %get3A_938 = vector.shape_cast %get3A_937 : vector<1x16xf32> to vector<16xf32>
      %add3A_939 = arith.addf %add3A_932, %get3A_938 : vector<16xf32>
      %add3A_940 = arith.constant 14 : i32
      %add3A_941 = arith.addi %mul3A_414, %add3A_940 : i32
      %get3A_942 = arith.index_cast %add3A_941 : i32 to index
      %get3A_943 = arith.constant 48 : index
      %get3A_944 = tpu.vector_load %arg6[%get3A_942, %get3A_943] {strides = array<i32>} : memref<1280x64xf32, #tpu.memory_space<vmem>>, vector<1x16xf32>,
      %get3A_945 = vector.shape_cast %get3A_944 : vector<1x16xf32> to vector<16xf32>
      %add3A_946 = arith.addf %add3A_939, %get3A_945 : vector<16xf32>
      %add3A_947 = arith.constant 15 : i32
      %add3A_948 = arith.addi %mul3A_414, %add3A_947 : i32
      %get3A_949 = arith.index_cast %add3A_948 : i32 to index
      %get3A_950 = arith.constant 48 : index
      %get3A_951 = tpu.vector_load %arg6[%get3A_949, %get3A_950] {strides = array<i32>} : memref<1280x64xf32, #tpu.memory_space<vmem>>, vector<1x16xf32>,
      %get3A_952 = vector.shape_cast %get3A_951 : vector<1x16xf32> to vector<16xf32>
      %add3A_953 = arith.addf %add3A_946, %get3A_952 : vector<16xf32>
      %add3A_954 = arith.constant 16 : i32
      %add3A_955 = arith.addi %mul3A_414, %add3A_954 : i32
      %get3A_956 = arith.index_cast %add3A_955 : i32 to index
      %get3A_957 = arith.constant 48 : index
      %get3A_958 = tpu.vector_load %arg6[%get3A_956, %get3A_957] {strides = array<i32>} : memref<1280x64xf32, #tpu.memory_space<vmem>>, vector<1x16xf32>,
      %get3A_959 = vector.shape_cast %get3A_958 : vector<1x16xf32> to vector<16xf32>
      %add3A_960 = arith.addf %add3A_953, %get3A_959 : vector<16xf32>
      %add3A_961 = arith.constant 17 : i32
      %add3A_962 = arith.addi %mul3A_414, %add3A_961 : i32
      %get3A_963 = arith.index_cast %add3A_962 : i32 to index
      %get3A_964 = arith.constant 48 : index
      %get3A_965 = tpu.vector_load %arg6[%get3A_963, %get3A_964] {strides = array<i32>} : memref<1280x64xf32, #tpu.memory_space<vmem>>, vector<1x16xf32>,
      %get3A_966 = vector.shape_cast %get3A_965 : vector<1x16xf32> to vector<16xf32>
      %add3A_967 = arith.addf %add3A_960, %get3A_966 : vector<16xf32>
      %add3A_968 = arith.constant 18 : i32
      %add3A_969 = arith.addi %mul3A_414, %add3A_968 : i32
      %get3A_970 = arith.index_cast %add3A_969 : i32 to index
      %get3A_971 = arith.constant 48 : index
      %get3A_972 = tpu.vector_load %arg6[%get3A_970, %get3A_971] {strides = array<i32>} : memref<1280x64xf32, #tpu.memory_space<vmem>>, vector<1x16xf32>,
      %get3A_973 = vector.shape_cast %get3A_972 : vector<1x16xf32> to vector<16xf32>
      %add3A_974 = arith.addf %add3A_967, %get3A_973 : vector<16xf32>
      %add3A_975 = arith.constant 19 : i32
      %add3A_976 = arith.addi %mul3A_414, %add3A_975 : i32
      %get3A_977 = arith.index_cast %add3A_976 : i32 to index
      %get3A_978 = arith.constant 48 : index
      %get3A_979 = tpu.vector_load %arg6[%get3A_977, %get3A_978] {strides = array<i32>} : memref<1280x64xf32, #tpu.memory_space<vmem>>, vector<1x16xf32>,
      %get3A_980 = vector.shape_cast %get3A_979 : vector<1x16xf32> to vector<16xf32>
      %add3A_981 = arith.addf %add3A_974, %get3A_980 : vector<16xf32>
      %add3A_982 = arith.constant 0 : i32
      %add3A_983 = arith.addi %add3A_982, %scan3A_412 : i32
      %swap3A_984 = arith.index_cast %add3A_983 : i32 to index
      %swap3A_985 = arith.constant 48 : index
      %swap3A_986 = tpu.vector_load %arg7[%swap3A_984, %swap3A_985] {strides = array<i32>} : memref<128x64xf32, #tpu.memory_space<vmem>>, vector<1x16xf32>,
      %swap3A_987 = vector.shape_cast %swap3A_986 : vector<1x16xf32> to vector<16xf32>
      %swap3A_988 = vector.shape_cast %add3A_981 : vector<16xf32> to vector<1x16xf32>
      tpu.vector_store %arg7[%swap3A_984, %swap3A_985], %swap3A_988 {strides = array<i32>} : memref<128x64xf32, #tpu.memory_space<vmem>>, vector<1x16xf32>,
    }
    %scan3A_203 = arith.constant 64 : i32
    %dma_start3A_204 = arith.constant 10 : i32
    %dma_start3A_205 = arith.constant 0 : i32
    %dma_start3A_206 = arith.constant 0 : i32
    %dma_start3A_207 = tpu.memref_slice %arg6[%dma_start3A_205, %dma_start3A_206] : memref<1280x64xf32, #tpu.memory_space<vmem>> -> memref<128x64xf32, #tpu.memory_space<vmem>>
    %dma_start3A_208 = arith.constant 0 : i32
    %dma_start3A_209 = tpu.memref_slice %arg5[%dma_start3A_204, %dma_start3A_208] : memref<20x128xi32, #tpu.memory_space<vmem>> -> memref<1x128xi32, #tpu.memory_space<vmem>>
    %dma_start3A_210 = tpu.memref_squeeze %dma_start3A_209 : memref<1x128xi32, #tpu.memory_space<vmem>> -> memref<128xi32, #tpu.memory_space<vmem>>
    %dma_start3A_211 = arith.constant 0 : i32
    %dma_start3A_212 = arith.constant 0 : i32
    %dma_start3A_213 = tpu.memref_slice %arg3[%dma_start3A_211, %dma_start3A_212] : memref<100000x64xf32, #tpu.memory_space<hbm>> -> memref<100000x64xf32, #tpu.memory_space<hbm>>
    tpu.enqueue_indirect_dma source(%dma_start3A_213 : memref<100000x64xf32, #tpu.memory_space<hbm>>) target(%dma_start3A_207 : memref<128x64xf32, #tpu.memory_space<vmem>>) offsets(%dma_start3A_210 : memref<128xi32, #tpu.memory_space<vmem>>) semaphore(%arg8 : memref<!tpu.dma_semaphore, #tpu.memory_space<semaphore_mem>>)
    %dma_start3A_214 = arith.constant 11 : i32
    %dma_start3A_215 = arith.constant 128 : i32
    %dma_start3A_216 = arith.constant 0 : i32
    %dma_start3A_217 = tpu.memref_slice %arg6[%dma_start3A_215, %dma_start3A_216] : memref<1280x64xf32, #tpu.memory_space<vmem>> -> memref<128x64xf32, #tpu.memory_space<vmem>>
    %dma_start3A_218 = arith.constant 0 : i32
    %dma_start3A_219 = tpu.memref_slice %arg5[%dma_start3A_214, %dma_start3A_218] : memref<20x128xi32, #tpu.memory_space<vmem>> -> memref<1x128xi32, #tpu.memory_space<vmem>>
    %dma_start3A_220 = tpu.memref_squeeze %dma_start3A_219 : memref<1x128xi32, #tpu.memory_space<vmem>> -> memref<128xi32, #tpu.memory_space<vmem>>
    %dma_start3A_221 = arith.constant 0 : i32
    %dma_start3A_222 = arith.constant 0 : i32
    %dma_start3A_223 = tpu.memref_slice %arg3[%dma_start3A_221, %dma_start3A_222] : memref<100000x64xf32, #tpu.memory_space<hbm>> -> memref<100000x64xf32, #tpu.memory_space<hbm>>
    tpu.enqueue_indirect_dma source(%dma_start3A_223 : memref<100000x64xf32, #tpu.memory_space<hbm>>) target(%dma_start3A_217 : memref<128x64xf32, #tpu.memory_space<vmem>>) offsets(%dma_start3A_220 : memref<128xi32, #tpu.memory_space<vmem>>) semaphore(%arg8 : memref<!tpu.dma_semaphore, #tpu.memory_space<semaphore_mem>>)
    %dma_start3A_224 = arith.constant 12 : i32
    %dma_start3A_225 = arith.constant 256 : i32
    %dma_start3A_226 = arith.constant 0 : i32
    %dma_start3A_227 = tpu.memref_slice %arg6[%dma_start3A_225, %dma_start3A_226] : memref<1280x64xf32, #tpu.memory_space<vmem>> -> memref<128x64xf32, #tpu.memory_space<vmem>>
    %dma_start3A_228 = arith.constant 0 : i32
    %dma_start3A_229 = tpu.memref_slice %arg5[%dma_start3A_224, %dma_start3A_228] : memref<20x128xi32, #tpu.memory_space<vmem>> -> memref<1x128xi32, #tpu.memory_space<vmem>>
    %dma_start3A_230 = tpu.memref_squeeze %dma_start3A_229 : memref<1x128xi32, #tpu.memory_space<vmem>> -> memref<128xi32, #tpu.memory_space<vmem>>
    %dma_start3A_231 = arith.constant 0 : i32
    %dma_start3A_232 = arith.constant 0 : i32
    %dma_start3A_233 = tpu.memref_slice %arg3[%dma_start3A_231, %dma_start3A_232] : memref<100000x64xf32, #tpu.memory_space<hbm>> -> memref<100000x64xf32, #tpu.memory_space<hbm>>
    tpu.enqueue_indirect_dma source(%dma_start3A_233 : memref<100000x64xf32, #tpu.memory_space<hbm>>) target(%dma_start3A_227 : memref<128x64xf32, #tpu.memory_space<vmem>>) offsets(%dma_start3A_230 : memref<128xi32, #tpu.memory_space<vmem>>) semaphore(%arg8 : memref<!tpu.dma_semaphore, #tpu.memory_space<semaphore_mem>>)
    %dma_start3A_234 = arith.constant 13 : i32
    %dma_start3A_235 = arith.constant 384 : i32
    %dma_start3A_236 = arith.constant 0 : i32
    %dma_start3A_237 = tpu.memref_slice %arg6[%dma_start3A_235, %dma_start3A_236] : memref<1280x64xf32, #tpu.memory_space<vmem>> -> memref<128x64xf32, #tpu.memory_space<vmem>>
    %dma_start3A_238 = arith.constant 0 : i32
    %dma_start3A_239 = tpu.memref_slice %arg5[%dma_start3A_234, %dma_start3A_238] : memref<20x128xi32, #tpu.memory_space<vmem>> -> memref<1x128xi32, #tpu.memory_space<vmem>>
    %dma_start3A_240 = tpu.memref_squeeze %dma_start3A_239 : memref<1x128xi32, #tpu.memory_space<vmem>> -> memref<128xi32, #tpu.memory_space<vmem>>
    %dma_start3A_241 = arith.constant 0 : i32
    %dma_start3A_242 = arith.constant 0 : i32
    %dma_start3A_243 = tpu.memref_slice %arg3[%dma_start3A_241, %dma_start3A_242] : memref<100000x64xf32, #tpu.memory_space<hbm>> -> memref<100000x64xf32, #tpu.memory_space<hbm>>
    tpu.enqueue_indirect_dma source(%dma_start3A_243 : memref<100000x64xf32, #tpu.memory_space<hbm>>) target(%dma_start3A_237 : memref<128x64xf32, #tpu.memory_space<vmem>>) offsets(%dma_start3A_240 : memref<128xi32, #tpu.memory_space<vmem>>) semaphore(%arg8 : memref<!tpu.dma_semaphore, #tpu.memory_space<semaphore_mem>>)
    %dma_start3A_244 = arith.constant 14 : i32
    %dma_start3A_245 = arith.constant 512 : i32
    %dma_start3A_246 = arith.constant 0 : i32
    %dma_start3A_247 = tpu.memref_slice %arg6[%dma_start3A_245, %dma_start3A_246] : memref<1280x64xf32, #tpu.memory_space<vmem>> -> memref<128x64xf32, #tpu.memory_space<vmem>>
    %dma_start3A_248 = arith.constant 0 : i32
    %dma_start3A_249 = tpu.memref_slice %arg5[%dma_start3A_244, %dma_start3A_248] : memref<20x128xi32, #tpu.memory_space<vmem>> -> memref<1x128xi32, #tpu.memory_space<vmem>>
    %dma_start3A_250 = tpu.memref_squeeze %dma_start3A_249 : memref<1x128xi32, #tpu.memory_space<vmem>> -> memref<128xi32, #tpu.memory_space<vmem>>
    %dma_start3A_251 = arith.constant 0 : i32
    %dma_start3A_252 = arith.constant 0 : i32
    %dma_start3A_253 = tpu.memref_slice %arg3[%dma_start3A_251, %dma_start3A_252] : memref<100000x64xf32, #tpu.memory_space<hbm>> -> memref<100000x64xf32, #tpu.memory_space<hbm>>
    tpu.enqueue_indirect_dma source(%dma_start3A_253 : memref<100000x64xf32, #tpu.memory_space<hbm>>) target(%dma_start3A_247 : memref<128x64xf32, #tpu.memory_space<vmem>>) offsets(%dma_start3A_250 : memref<128xi32, #tpu.memory_space<vmem>>) semaphore(%arg8 : memref<!tpu.dma_semaphore, #tpu.memory_space<semaphore_mem>>)
    %dma_start3A_254 = arith.constant 15 : i32
    %dma_start3A_255 = arith.constant 640 : i32
    %dma_start3A_256 = arith.constant 0 : i32
    %dma_start3A_257 = tpu.memref_slice %arg6[%dma_start3A_255, %dma_start3A_256] : memref<1280x64xf32, #tpu.memory_space<vmem>> -> memref<128x64xf32, #tpu.memory_space<vmem>>
    %dma_start3A_258 = arith.constant 0 : i32
    %dma_start3A_259 = tpu.memref_slice %arg5[%dma_start3A_254, %dma_start3A_258] : memref<20x128xi32, #tpu.memory_space<vmem>> -> memref<1x128xi32, #tpu.memory_space<vmem>>
    %dma_start3A_260 = tpu.memref_squeeze %dma_start3A_259 : memref<1x128xi32, #tpu.memory_space<vmem>> -> memref<128xi32, #tpu.memory_space<vmem>>
    %dma_start3A_261 = arith.constant 0 : i32
    %dma_start3A_262 = arith.constant 0 : i32
    %dma_start3A_263 = tpu.memref_slice %arg3[%dma_start3A_261, %dma_start3A_262] : memref<100000x64xf32, #tpu.memory_space<hbm>> -> memref<100000x64xf32, #tpu.memory_space<hbm>>
    tpu.enqueue_indirect_dma source(%dma_start3A_263 : memref<100000x64xf32, #tpu.memory_space<hbm>>) target(%dma_start3A_257 : memref<128x64xf32, #tpu.memory_space<vmem>>) offsets(%dma_start3A_260 : memref<128xi32, #tpu.memory_space<vmem>>) semaphore(%arg8 : memref<!tpu.dma_semaphore, #tpu.memory_space<semaphore_mem>>)
    %dma_start3A_264 = arith.constant 16 : i32
    %dma_start3A_265 = arith.constant 768 : i32
    %dma_start3A_266 = arith.constant 0 : i32
    %dma_start3A_267 = tpu.memref_slice %arg6[%dma_start3A_265, %dma_start3A_266] : memref<1280x64xf32, #tpu.memory_space<vmem>> -> memref<128x64xf32, #tpu.memory_space<vmem>>
    %dma_start3A_268 = arith.constant 0 : i32
    %dma_start3A_269 = tpu.memref_slice %arg5[%dma_start3A_264, %dma_start3A_268] : memref<20x128xi32, #tpu.memory_space<vmem>> -> memref<1x128xi32, #tpu.memory_space<vmem>>
    %dma_start3A_270 = tpu.memref_squeeze %dma_start3A_269 : memref<1x128xi32, #tpu.memory_space<vmem>> -> memref<128xi32, #tpu.memory_space<vmem>>
    %dma_start3A_271 = arith.constant 0 : i32
    %dma_start3A_272 = arith.constant 0 : i32
    %dma_start3A_273 = tpu.memref_slice %arg3[%dma_start3A_271, %dma_start3A_272] : memref<100000x64xf32, #tpu.memory_space<hbm>> -> memref<100000x64xf32, #tpu.memory_space<hbm>>
    tpu.enqueue_indirect_dma source(%dma_start3A_273 : memref<100000x64xf32, #tpu.memory_space<hbm>>) target(%dma_start3A_267 : memref<128x64xf32, #tpu.memory_space<vmem>>) offsets(%dma_start3A_270 : memref<128xi32, #tpu.memory_space<vmem>>) semaphore(%arg8 : memref<!tpu.dma_semaphore, #tpu.memory_space<semaphore_mem>>)
    %dma_start3A_274 = arith.constant 17 : i32
    %dma_start3A_275 = arith.constant 896 : i32
    %dma_start3A_276 = arith.constant 0 : i32
    %dma_start3A_277 = tpu.memref_slice %arg6[%dma_start3A_275, %dma_start3A_276] : memref<1280x64xf32, #tpu.memory_space<vmem>> -> memref<128x64xf32, #tpu.memory_space<vmem>>
    %dma_start3A_278 = arith.constant 0 : i32
    %dma_start3A_279 = tpu.memref_slice %arg5[%dma_start3A_274, %dma_start3A_278] : memref<20x128xi32, #tpu.memory_space<vmem>> -> memref<1x128xi32, #tpu.memory_space<vmem>>
    %dma_start3A_280 = tpu.memref_squeeze %dma_start3A_279 : memref<1x128xi32, #tpu.memory_space<vmem>> -> memref<128xi32, #tpu.memory_space<vmem>>
    %dma_start3A_281 = arith.constant 0 : i32
    %dma_start3A_282 = arith.constant 0 : i32
    %dma_start3A_283 = tpu.memref_slice %arg3[%dma_start3A_281, %dma_start3A_282] : memref<100000x64xf32, #tpu.memory_space<hbm>> -> memref<100000x64xf32, #tpu.memory_space<hbm>>
    tpu.enqueue_indirect_dma source(%dma_start3A_283 : memref<100000x64xf32, #tpu.memory_space<hbm>>) target(%dma_start3A_277 : memref<128x64xf32, #tpu.memory_space<vmem>>) offsets(%dma_start3A_280 : memref<128xi32, #tpu.memory_space<vmem>>) semaphore(%arg8 : memref<!tpu.dma_semaphore, #tpu.memory_space<semaphore_mem>>)
    %dma_start3A_284 = arith.constant 18 : i32
    %dma_start3A_285 = arith.constant 1024 : i32
    %dma_start3A_286 = arith.constant 0 : i32
    %dma_start3A_287 = tpu.memref_slice %arg6[%dma_start3A_285, %dma_start3A_286] : memref<1280x64xf32, #tpu.memory_space<vmem>> -> memref<128x64xf32, #tpu.memory_space<vmem>>
    %dma_start3A_288 = arith.constant 0 : i32
    %dma_start3A_289 = tpu.memref_slice %arg5[%dma_start3A_284, %dma_start3A_288] : memref<20x128xi32, #tpu.memory_space<vmem>> -> memref<1x128xi32, #tpu.memory_space<vmem>>
    %dma_start3A_290 = tpu.memref_squeeze %dma_start3A_289 : memref<1x128xi32, #tpu.memory_space<vmem>> -> memref<128xi32, #tpu.memory_space<vmem>>
    %dma_start3A_291 = arith.constant 0 : i32
    %dma_start3A_292 = arith.constant 0 : i32
    %dma_start3A_293 = tpu.memref_slice %arg3[%dma_start3A_291, %dma_start3A_292] : memref<100000x64xf32, #tpu.memory_space<hbm>> -> memref<100000x64xf32, #tpu.memory_space<hbm>>
    tpu.enqueue_indirect_dma source(%dma_start3A_293 : memref<100000x64xf32, #tpu.memory_space<hbm>>) target(%dma_start3A_287 : memref<128x64xf32, #tpu.memory_space<vmem>>) offsets(%dma_start3A_290 : memref<128xi32, #tpu.memory_space<vmem>>) semaphore(%arg8 : memref<!tpu.dma_semaphore, #tpu.memory_space<semaphore_mem>>)
    %dma_start3A_294 = arith.constant 19 : i32
    %dma_start3A_295 = arith.constant 1152 : i32
    %dma_start3A_296 = arith.constant 0 : i32
    %dma_start3A_297 = tpu.memref_slice %arg6[%dma_start3A_295, %dma_start3A_296] : memref<1280x64xf32, #tpu.memory_space<vmem>> -> memref<128x64xf32, #tpu.memory_space<vmem>>
    %dma_start3A_298 = arith.constant 0 : i32
    %dma_start3A_299 = tpu.memref_slice %arg5[%dma_start3A_294, %dma_start3A_298] : memref<20x128xi32, #tpu.memory_space<vmem>> -> memref<1x128xi32, #tpu.memory_space<vmem>>
    %dma_start3A_300 = tpu.memref_squeeze %dma_start3A_299 : memref<1x128xi32, #tpu.memory_space<vmem>> -> memref<128xi32, #tpu.memory_space<vmem>>
    %dma_start3A_301 = arith.constant 0 : i32
    %dma_start3A_302 = arith.constant 0 : i32
    %dma_start3A_303 = tpu.memref_slice %arg3[%dma_start3A_301, %dma_start3A_302] : memref<100000x64xf32, #tpu.memory_space<hbm>> -> memref<100000x64xf32, #tpu.memory_space<hbm>>
    tpu.enqueue_indirect_dma source(%dma_start3A_303 : memref<100000x64xf32, #tpu.memory_space<hbm>>) target(%dma_start3A_297 : memref<128x64xf32, #tpu.memory_space<vmem>>) offsets(%dma_start3A_300 : memref<128xi32, #tpu.memory_space<vmem>>) semaphore(%arg8 : memref<!tpu.dma_semaphore, #tpu.memory_space<semaphore_mem>>)
    %dma_wait3A_304 = arith.constant 10 : i32
    %dma_wait3A_305 = arith.constant 0 : i32
    %dma_wait3A_306 = arith.constant 0 : i32
    %dma_wait3A_307 = tpu.memref_slice %arg6[%dma_wait3A_305, %dma_wait3A_306] : memref<1280x64xf32, #tpu.memory_space<vmem>> -> memref<128x64xf32, #tpu.memory_space<vmem>>
    %dma_wait3A_308 = arith.constant 0 : i32
    %dma_wait3A_309 = tpu.memref_slice %arg5[%dma_wait3A_304, %dma_wait3A_308] : memref<20x128xi32, #tpu.memory_space<vmem>> -> memref<1x128xi32, #tpu.memory_space<vmem>>
    %dma_wait3A_310 = tpu.memref_squeeze %dma_wait3A_309 : memref<1x128xi32, #tpu.memory_space<vmem>> -> memref<128xi32, #tpu.memory_space<vmem>>
    %dma_wait3A_311 = arith.constant 0 : i32
    %dma_wait3A_312 = arith.constant 0 : i32
    %dma_wait3A_313 = tpu.memref_slice %arg3[%dma_wait3A_311, %dma_wait3A_312] : memref<100000x64xf32, #tpu.memory_space<hbm>> -> memref<100000x64xf32, #tpu.memory_space<hbm>>
    tpu.wait_indirect_dma semaphore(%arg8 : memref<!tpu.dma_semaphore, #tpu.memory_space<semaphore_mem>>) src(%dma_wait3A_313 : memref<100000x64xf32, #tpu.memory_space<hbm>>) dst(%dma_wait3A_307 : memref<128x64xf32, #tpu.memory_space<vmem>>)
    %dma_wait3A_314 = arith.constant 11 : i32
    %dma_wait3A_315 = arith.constant 128 : i32
    %dma_wait3A_316 = arith.constant 0 : i32
    %dma_wait3A_317 = tpu.memref_slice %arg6[%dma_wait3A_315, %dma_wait3A_316] : memref<1280x64xf32, #tpu.memory_space<vmem>> -> memref<128x64xf32, #tpu.memory_space<vmem>>
    %dma_wait3A_318 = arith.constant 0 : i32
    %dma_wait3A_319 = tpu.memref_slice %arg5[%dma_wait3A_314, %dma_wait3A_318] : memref<20x128xi32, #tpu.memory_space<vmem>> -> memref<1x128xi32, #tpu.memory_space<vmem>>
    %dma_wait3A_320 = tpu.memref_squeeze %dma_wait3A_319 : memref<1x128xi32, #tpu.memory_space<vmem>> -> memref<128xi32, #tpu.memory_space<vmem>>
    %dma_wait3A_321 = arith.constant 0 : i32
    %dma_wait3A_322 = arith.constant 0 : i32
    %dma_wait3A_323 = tpu.memref_slice %arg3[%dma_wait3A_321, %dma_wait3A_322] : memref<100000x64xf32, #tpu.memory_space<hbm>> -> memref<100000x64xf32, #tpu.memory_space<hbm>>
    tpu.wait_indirect_dma semaphore(%arg8 : memref<!tpu.dma_semaphore, #tpu.memory_space<semaphore_mem>>) src(%dma_wait3A_323 : memref<100000x64xf32, #tpu.memory_space<hbm>>) dst(%dma_wait3A_317 : memref<128x64xf32, #tpu.memory_space<vmem>>)
    %dma_wait3A_324 = arith.constant 12 : i32
    %dma_wait3A_325 = arith.constant 256 : i32
    %dma_wait3A_326 = arith.constant 0 : i32
    %dma_wait3A_327 = tpu.memref_slice %arg6[%dma_wait3A_325, %dma_wait3A_326] : memref<1280x64xf32, #tpu.memory_space<vmem>> -> memref<128x64xf32, #tpu.memory_space<vmem>>
    %dma_wait3A_328 = arith.constant 0 : i32
    %dma_wait3A_329 = tpu.memref_slice %arg5[%dma_wait3A_324, %dma_wait3A_328] : memref<20x128xi32, #tpu.memory_space<vmem>> -> memref<1x128xi32, #tpu.memory_space<vmem>>
    %dma_wait3A_330 = tpu.memref_squeeze %dma_wait3A_329 : memref<1x128xi32, #tpu.memory_space<vmem>> -> memref<128xi32, #tpu.memory_space<vmem>>
    %dma_wait3A_331 = arith.constant 0 : i32
    %dma_wait3A_332 = arith.constant 0 : i32
    %dma_wait3A_333 = tpu.memref_slice %arg3[%dma_wait3A_331, %dma_wait3A_332] : memref<100000x64xf32, #tpu.memory_space<hbm>> -> memref<100000x64xf32, #tpu.memory_space<hbm>>
    tpu.wait_indirect_dma semaphore(%arg8 : memref<!tpu.dma_semaphore, #tpu.memory_space<semaphore_mem>>) src(%dma_wait3A_333 : memref<100000x64xf32, #tpu.memory_space<hbm>>) dst(%dma_wait3A_327 : memref<128x64xf32, #tpu.memory_space<vmem>>)
    %dma_wait3A_334 = arith.constant 13 : i32
    %dma_wait3A_335 = arith.constant 384 : i32
    %dma_wait3A_336 = arith.constant 0 : i32
    %dma_wait3A_337 = tpu.memref_slice %arg6[%dma_wait3A_335, %dma_wait3A_336] : memref<1280x64xf32, #tpu.memory_space<vmem>> -> memref<128x64xf32, #tpu.memory_space<vmem>>
    %dma_wait3A_338 = arith.constant 0 : i32
    %dma_wait3A_339 = tpu.memref_slice %arg5[%dma_wait3A_334, %dma_wait3A_338] : memref<20x128xi32, #tpu.memory_space<vmem>> -> memref<1x128xi32, #tpu.memory_space<vmem>>
    %dma_wait3A_340 = tpu.memref_squeeze %dma_wait3A_339 : memref<1x128xi32, #tpu.memory_space<vmem>> -> memref<128xi32, #tpu.memory_space<vmem>>
    %dma_wait3A_341 = arith.constant 0 : i32
    %dma_wait3A_342 = arith.constant 0 : i32
    %dma_wait3A_343 = tpu.memref_slice %arg3[%dma_wait3A_341, %dma_wait3A_342] : memref<100000x64xf32, #tpu.memory_space<hbm>> -> memref<100000x64xf32, #tpu.memory_space<hbm>>
    tpu.wait_indirect_dma semaphore(%arg8 : memref<!tpu.dma_semaphore, #tpu.memory_space<semaphore_mem>>) src(%dma_wait3A_343 : memref<100000x64xf32, #tpu.memory_space<hbm>>) dst(%dma_wait3A_337 : memref<128x64xf32, #tpu.memory_space<vmem>>)
    %dma_wait3A_344 = arith.constant 14 : i32
    %dma_wait3A_345 = arith.constant 512 : i32
    %dma_wait3A_346 = arith.constant 0 : i32
    %dma_wait3A_347 = tpu.memref_slice %arg6[%dma_wait3A_345, %dma_wait3A_346] : memref<1280x64xf32, #tpu.memory_space<vmem>> -> memref<128x64xf32, #tpu.memory_space<vmem>>
    %dma_wait3A_348 = arith.constant 0 : i32
    %dma_wait3A_349 = tpu.memref_slice %arg5[%dma_wait3A_344, %dma_wait3A_348] : memref<20x128xi32, #tpu.memory_space<vmem>> -> memref<1x128xi32, #tpu.memory_space<vmem>>
    %dma_wait3A_350 = tpu.memref_squeeze %dma_wait3A_349 : memref<1x128xi32, #tpu.memory_space<vmem>> -> memref<128xi32, #tpu.memory_space<vmem>>
    %dma_wait3A_351 = arith.constant 0 : i32
    %dma_wait3A_352 = arith.constant 0 : i32
    %dma_wait3A_353 = tpu.memref_slice %arg3[%dma_wait3A_351, %dma_wait3A_352] : memref<100000x64xf32, #tpu.memory_space<hbm>> -> memref<100000x64xf32, #tpu.memory_space<hbm>>
    tpu.wait_indirect_dma semaphore(%arg8 : memref<!tpu.dma_semaphore, #tpu.memory_space<semaphore_mem>>) src(%dma_wait3A_353 : memref<100000x64xf32, #tpu.memory_space<hbm>>) dst(%dma_wait3A_347 : memref<128x64xf32, #tpu.memory_space<vmem>>)
    %dma_wait3A_354 = arith.constant 15 : i32
    %dma_wait3A_355 = arith.constant 640 : i32
    %dma_wait3A_356 = arith.constant 0 : i32
    %dma_wait3A_357 = tpu.memref_slice %arg6[%dma_wait3A_355, %dma_wait3A_356] : memref<1280x64xf32, #tpu.memory_space<vmem>> -> memref<128x64xf32, #tpu.memory_space<vmem>>
    %dma_wait3A_358 = arith.constant 0 : i32
    %dma_wait3A_359 = tpu.memref_slice %arg5[%dma_wait3A_354, %dma_wait3A_358] : memref<20x128xi32, #tpu.memory_space<vmem>> -> memref<1x128xi32, #tpu.memory_space<vmem>>
    %dma_wait3A_360 = tpu.memref_squeeze %dma_wait3A_359 : memref<1x128xi32, #tpu.memory_space<vmem>> -> memref<128xi32, #tpu.memory_space<vmem>>
    %dma_wait3A_361 = arith.constant 0 : i32
    %dma_wait3A_362 = arith.constant 0 : i32
    %dma_wait3A_363 = tpu.memref_slice %arg3[%dma_wait3A_361, %dma_wait3A_362] : memref<100000x64xf32, #tpu.memory_space<hbm>> -> memref<100000x64xf32, #tpu.memory_space<hbm>>
    tpu.wait_indirect_dma semaphore(%arg8 : memref<!tpu.dma_semaphore, #tpu.memory_space<semaphore_mem>>) src(%dma_wait3A_363 : memref<100000x64xf32, #tpu.memory_space<hbm>>) dst(%dma_wait3A_357 : memref<128x64xf32, #tpu.memory_space<vmem>>)
    %dma_wait3A_364 = arith.constant 16 : i32
    %dma_wait3A_365 = arith.constant 768 : i32
    %dma_wait3A_366 = arith.constant 0 : i32
    %dma_wait3A_367 = tpu.memref_slice %arg6[%dma_wait3A_365, %dma_wait3A_366] : memref<1280x64xf32, #tpu.memory_space<vmem>> -> memref<128x64xf32, #tpu.memory_space<vmem>>
    %dma_wait3A_368 = arith.constant 0 : i32
    %dma_wait3A_369 = tpu.memref_slice %arg5[%dma_wait3A_364, %dma_wait3A_368] : memref<20x128xi32, #tpu.memory_space<vmem>> -> memref<1x128xi32, #tpu.memory_space<vmem>>
    %dma_wait3A_370 = tpu.memref_squeeze %dma_wait3A_369 : memref<1x128xi32, #tpu.memory_space<vmem>> -> memref<128xi32, #tpu.memory_space<vmem>>
    %dma_wait3A_371 = arith.constant 0 : i32
    %dma_wait3A_372 = arith.constant 0 : i32
    %dma_wait3A_373 = tpu.memref_slice %arg3[%dma_wait3A_371, %dma_wait3A_372] : memref<100000x64xf32, #tpu.memory_space<hbm>> -> memref<100000x64xf32, #tpu.memory_space<hbm>>
    tpu.wait_indirect_dma semaphore(%arg8 : memref<!tpu.dma_semaphore, #tpu.memory_space<semaphore_mem>>) src(%dma_wait3A_373 : memref<100000x64xf32, #tpu.memory_space<hbm>>) dst(%dma_wait3A_367 : memref<128x64xf32, #tpu.memory_space<vmem>>)
    %dma_wait3A_374 = arith.constant 17 : i32
    %dma_wait3A_375 = arith.constant 896 : i32
    %dma_wait3A_376 = arith.constant 0 : i32
    %dma_wait3A_377 = tpu.memref_slice %arg6[%dma_wait3A_375, %dma_wait3A_376] : memref<1280x64xf32, #tpu.memory_space<vmem>> -> memref<128x64xf32, #tpu.memory_space<vmem>>
    %dma_wait3A_378 = arith.constant 0 : i32
    %dma_wait3A_379 = tpu.memref_slice %arg5[%dma_wait3A_374, %dma_wait3A_378] : memref<20x128xi32, #tpu.memory_space<vmem>> -> memref<1x128xi32, #tpu.memory_space<vmem>>
    %dma_wait3A_380 = tpu.memref_squeeze %dma_wait3A_379 : memref<1x128xi32, #tpu.memory_space<vmem>> -> memref<128xi32, #tpu.memory_space<vmem>>
    %dma_wait3A_381 = arith.constant 0 : i32
    %dma_wait3A_382 = arith.constant 0 : i32
    %dma_wait3A_383 = tpu.memref_slice %arg3[%dma_wait3A_381, %dma_wait3A_382] : memref<100000x64xf32, #tpu.memory_space<hbm>> -> memref<100000x64xf32, #tpu.memory_space<hbm>>
    tpu.wait_indirect_dma semaphore(%arg8 : memref<!tpu.dma_semaphore, #tpu.memory_space<semaphore_mem>>) src(%dma_wait3A_383 : memref<100000x64xf32, #tpu.memory_space<hbm>>) dst(%dma_wait3A_377 : memref<128x64xf32, #tpu.memory_space<vmem>>)
    %dma_wait3A_384 = arith.constant 18 : i32
    %dma_wait3A_385 = arith.constant 1024 : i32
    %dma_wait3A_386 = arith.constant 0 : i32
    %dma_wait3A_387 = tpu.memref_slice %arg6[%dma_wait3A_385, %dma_wait3A_386] : memref<1280x64xf32, #tpu.memory_space<vmem>> -> memref<128x64xf32, #tpu.memory_space<vmem>>
    %dma_wait3A_388 = arith.constant 0 : i32
    %dma_wait3A_389 = tpu.memref_slice %arg5[%dma_wait3A_384, %dma_wait3A_388] : memref<20x128xi32, #tpu.memory_space<vmem>> -> memref<1x128xi32, #tpu.memory_space<vmem>>
    %dma_wait3A_390 = tpu.memref_squeeze %dma_wait3A_389 : memref<1x128xi32, #tpu.memory_space<vmem>> -> memref<128xi32, #tpu.memory_space<vmem>>
    %dma_wait3A_391 = arith.constant 0 : i32
    %dma_wait3A_392 = arith.constant 0 : i32
    %dma_wait3A_393 = tpu.memref_slice %arg3[%dma_wait3A_391, %dma_wait3A_392] : memref<100000x64xf32, #tpu.memory_space<hbm>> -> memref<100000x64xf32, #tpu.memory_space<hbm>>
    tpu.wait_indirect_dma semaphore(%arg8 : memref<!tpu.dma_semaphore, #tpu.memory_space<semaphore_mem>>) src(%dma_wait3A_393 : memref<100000x64xf32, #tpu.memory_space<hbm>>) dst(%dma_wait3A_387 : memref<128x64xf32, #tpu.memory_space<vmem>>)
    %dma_wait3A_394 = arith.constant 19 : i32
    %dma_wait3A_395 = arith.constant 1152 : i32
    %dma_wait3A_396 = arith.constant 0 : i32
    %dma_wait3A_397 = tpu.memref_slice %arg6[%dma_wait3A_395, %dma_wait3A_396] : memref<1280x64xf32, #tpu.memory_space<vmem>> -> memref<128x64xf32, #tpu.memory_space<vmem>>
    %dma_wait3A_398 = arith.constant 0 : i32
    %dma_wait3A_399 = tpu.memref_slice %arg5[%dma_wait3A_394, %dma_wait3A_398] : memref<20x128xi32, #tpu.memory_space<vmem>> -> memref<1x128xi32, #tpu.memory_space<vmem>>
    %dma_wait3A_400 = tpu.memref_squeeze %dma_wait3A_399 : memref<1x128xi32, #tpu.memory_space<vmem>> -> memref<128xi32, #tpu.memory_space<vmem>>
    %dma_wait3A_401 = arith.constant 0 : i32
    %dma_wait3A_402 = arith.constant 0 : i32
    %dma_wait3A_403 = tpu.memref_slice %arg3[%dma_wait3A_401, %dma_wait3A_402] : memref<100000x64xf32, #tpu.memory_space<hbm>> -> memref<100000x64xf32, #tpu.memory_space<hbm>>
    tpu.wait_indirect_dma semaphore(%arg8 : memref<!tpu.dma_semaphore, #tpu.memory_space<semaphore_mem>>) src(%dma_wait3A_403 : memref<100000x64xf32, #tpu.memory_space<hbm>>) dst(%dma_wait3A_397 : memref<128x64xf32, #tpu.memory_space<vmem>>)
    %scan3A_404 = arith.constant 0 : i32
    %scan3A_405 = arith.constant 0 : i32
    %scan3A_406 = arith.constant 64 : i32
    %scan3A_407 = arith.addi %scan3A_405, %scan3A_406 : i32
    %scan3A_408 = arith.constant 1 : i32
    scf.for %scan3A_412 = %scan3A_405 to %scan3A_407 step %scan3A_408  : i32 {
      %mul3A_413 = arith.constant 20 : i32
      %mul3A_414 = arith.muli %scan3A_412, %mul3A_413 : i32
      %get3A = arith.index_cast %mul3A_414 : i32 to index
      %get3A_415 = arith.constant 0 : index
      %get3A_416 = tpu.vector_load %arg6[%get3A, %get3A_415] {strides = array<i32>} : memref<1280x64xf32, #tpu.memory_space<vmem>>, vector<1x16xf32>,
      %get3A_417 = vector.shape_cast %get3A_416 : vector<1x16xf32> to vector<16xf32>
      %add3A_418 = arith.constant 1 : i32
      %add3A_419 = arith.addi %mul3A_414, %add3A_418 : i32
      %get3A_420 = arith.index_cast %add3A_419 : i32 to index
      %get3A_421 = arith.constant 0 : index
      %get3A_422 = tpu.vector_load %arg6[%get3A_420, %get3A_421] {strides = array<i32>} : memref<1280x64xf32, #tpu.memory_space<vmem>>, vector<1x16xf32>,
      %get3A_423 = vector.shape_cast %get3A_422 : vector<1x16xf32> to vector<16xf32>
      %add3A_424 = arith.addf %get3A_417, %get3A_423 : vector<16xf32>
      %add3A_425 = arith.constant 2 : i32
      %add3A_426 = arith.addi %mul3A_414, %add3A_425 : i32
      %get3A_427 = arith.index_cast %add3A_426 : i32 to index
      %get3A_428 = arith.constant 0 : index
      %get3A_429 = tpu.vector_load %arg6[%get3A_427, %get3A_428] {strides = array<i32>} : memref<1280x64xf32, #tpu.memory_space<vmem>>, vector<1x16xf32>,
      %get3A_430 = vector.shape_cast %get3A_429 : vector<1x16xf32> to vector<16xf32>
      %add3A_431 = arith.addf %add3A_424, %get3A_430 : vector<16xf32>
      %add3A_432 = arith.constant 3 : i32
      %add3A_433 = arith.addi %mul3A_414, %add3A_432 : i32
      %get3A_434 = arith.index_cast %add3A_433 : i32 to index
      %get3A_435 = arith.constant 0 : index
      %get3A_436 = tpu.vector_load %arg6[%get3A_434, %get3A_435] {strides = array<i32>} : memref<1280x64xf32, #tpu.memory_space<vmem>>, vector<1x16xf32>,
      %get3A_437 = vector.shape_cast %get3A_436 : vector<1x16xf32> to vector<16xf32>
      %add3A_438 = arith.addf %add3A_431, %get3A_437 : vector<16xf32>
      %add3A_439 = arith.constant 4 : i32
      %add3A_440 = arith.addi %mul3A_414, %add3A_439 : i32
      %get3A_441 = arith.index_cast %add3A_440 : i32 to index
      %get3A_442 = arith.constant 0 : index
      %get3A_443 = tpu.vector_load %arg6[%get3A_441, %get3A_442] {strides = array<i32>} : memref<1280x64xf32, #tpu.memory_space<vmem>>, vector<1x16xf32>,
      %get3A_444 = vector.shape_cast %get3A_443 : vector<1x16xf32> to vector<16xf32>
      %add3A_445 = arith.addf %add3A_438, %get3A_444 : vector<16xf32>
      %add3A_446 = arith.constant 5 : i32
      %add3A_447 = arith.addi %mul3A_414, %add3A_446 : i32
      %get3A_448 = arith.index_cast %add3A_447 : i32 to index
      %get3A_449 = arith.constant 0 : index
      %get3A_450 = tpu.vector_load %arg6[%get3A_448, %get3A_449] {strides = array<i32>} : memref<1280x64xf32, #tpu.memory_space<vmem>>, vector<1x16xf32>,
      %get3A_451 = vector.shape_cast %get3A_450 : vector<1x16xf32> to vector<16xf32>
      %add3A_452 = arith.addf %add3A_445, %get3A_451 : vector<16xf32>
      %add3A_453 = arith.constant 6 : i32
      %add3A_454 = arith.addi %mul3A_414, %add3A_453 : i32
      %get3A_455 = arith.index_cast %add3A_454 : i32 to index
      %get3A_456 = arith.constant 0 : index
      %get3A_457 = tpu.vector_load %arg6[%get3A_455, %get3A_456] {strides = array<i32>} : memref<1280x64xf32, #tpu.memory_space<vmem>>, vector<1x16xf32>,
      %get3A_458 = vector.shape_cast %get3A_457 : vector<1x16xf32> to vector<16xf32>
      %add3A_459 = arith.addf %add3A_452, %get3A_458 : vector<16xf32>
      %add3A_460 = arith.constant 7 : i32
      %add3A_461 = arith.addi %mul3A_414, %add3A_460 : i32
      %get3A_462 = arith.index_cast %add3A_461 : i32 to index
      %get3A_463 = arith.constant 0 : index
      %get3A_464 = tpu.vector_load %arg6[%get3A_462, %get3A_463] {strides = array<i32>} : memref<1280x64xf32, #tpu.memory_space<vmem>>, vector<1x16xf32>,
      %get3A_465 = vector.shape_cast %get3A_464 : vector<1x16xf32> to vector<16xf32>
      %add3A_466 = arith.addf %add3A_459, %get3A_465 : vector<16xf32>
      %add3A_467 = arith.constant 8 : i32
      %add3A_468 = arith.addi %mul3A_414, %add3A_467 : i32
      %get3A_469 = arith.index_cast %add3A_468 : i32 to index
      %get3A_470 = arith.constant 0 : index
      %get3A_471 = tpu.vector_load %arg6[%get3A_469, %get3A_470] {strides = array<i32>} : memref<1280x64xf32, #tpu.memory_space<vmem>>, vector<1x16xf32>,
      %get3A_472 = vector.shape_cast %get3A_471 : vector<1x16xf32> to vector<16xf32>
      %add3A_473 = arith.addf %add3A_466, %get3A_472 : vector<16xf32>
      %add3A_474 = arith.constant 9 : i32
      %add3A_475 = arith.addi %mul3A_414, %add3A_474 : i32
      %get3A_476 = arith.index_cast %add3A_475 : i32 to index
      %get3A_477 = arith.constant 0 : index
      %get3A_478 = tpu.vector_load %arg6[%get3A_476, %get3A_477] {strides = array<i32>} : memref<1280x64xf32, #tpu.memory_space<vmem>>, vector<1x16xf32>,
      %get3A_479 = vector.shape_cast %get3A_478 : vector<1x16xf32> to vector<16xf32>
      %add3A_480 = arith.addf %add3A_473, %get3A_479 : vector<16xf32>
      %add3A_481 = arith.constant 10 : i32
      %add3A_482 = arith.addi %mul3A_414, %add3A_481 : i32
      %get3A_483 = arith.index_cast %add3A_482 : i32 to index
      %get3A_484 = arith.constant 0 : index
      %get3A_485 = tpu.vector_load %arg6[%get3A_483, %get3A_484] {strides = array<i32>} : memref<1280x64xf32, #tpu.memory_space<vmem>>, vector<1x16xf32>,
      %get3A_486 = vector.shape_cast %get3A_485 : vector<1x16xf32> to vector<16xf32>
      %add3A_487 = arith.addf %add3A_480, %get3A_486 : vector<16xf32>
      %add3A_488 = arith.constant 11 : i32
      %add3A_489 = arith.addi %mul3A_414, %add3A_488 : i32
      %get3A_490 = arith.index_cast %add3A_489 : i32 to index
      %get3A_491 = arith.constant 0 : index
      %get3A_492 = tpu.vector_load %arg6[%get3A_490, %get3A_491] {strides = array<i32>} : memref<1280x64xf32, #tpu.memory_space<vmem>>, vector<1x16xf32>,
      %get3A_493 = vector.shape_cast %get3A_492 : vector<1x16xf32> to vector<16xf32>
      %add3A_494 = arith.addf %add3A_487, %get3A_493 : vector<16xf32>
      %add3A_495 = arith.constant 12 : i32
      %add3A_496 = arith.addi %mul3A_414, %add3A_495 : i32
      %get3A_497 = arith.index_cast %add3A_496 : i32 to index
      %get3A_498 = arith.constant 0 : index
      %get3A_499 = tpu.vector_load %arg6[%get3A_497, %get3A_498] {strides = array<i32>} : memref<1280x64xf32, #tpu.memory_space<vmem>>, vector<1x16xf32>,
      %get3A_500 = vector.shape_cast %get3A_499 : vector<1x16xf32> to vector<16xf32>
      %add3A_501 = arith.addf %add3A_494, %get3A_500 : vector<16xf32>
      %add3A_502 = arith.constant 13 : i32
      %add3A_503 = arith.addi %mul3A_414, %add3A_502 : i32
      %get3A_504 = arith.index_cast %add3A_503 : i32 to index
      %get3A_505 = arith.constant 0 : index
      %get3A_506 = tpu.vector_load %arg6[%get3A_504, %get3A_505] {strides = array<i32>} : memref<1280x64xf32, #tpu.memory_space<vmem>>, vector<1x16xf32>,
      %get3A_507 = vector.shape_cast %get3A_506 : vector<1x16xf32> to vector<16xf32>
      %add3A_508 = arith.addf %add3A_501, %get3A_507 : vector<16xf32>
      %add3A_509 = arith.constant 14 : i32
      %add3A_510 = arith.addi %mul3A_414, %add3A_509 : i32
      %get3A_511 = arith.index_cast %add3A_510 : i32 to index
      %get3A_512 = arith.constant 0 : index
      %get3A_513 = tpu.vector_load %arg6[%get3A_511, %get3A_512] {strides = array<i32>} : memref<1280x64xf32, #tpu.memory_space<vmem>>, vector<1x16xf32>,
      %get3A_514 = vector.shape_cast %get3A_513 : vector<1x16xf32> to vector<16xf32>
      %add3A_515 = arith.addf %add3A_508, %get3A_514 : vector<16xf32>
      %add3A_516 = arith.constant 15 : i32
      %add3A_517 = arith.addi %mul3A_414, %add3A_516 : i32
      %get3A_518 = arith.index_cast %add3A_517 : i32 to index
      %get3A_519 = arith.constant 0 : index
      %get3A_520 = tpu.vector_load %arg6[%get3A_518, %get3A_519] {strides = array<i32>} : memref<1280x64xf32, #tpu.memory_space<vmem>>, vector<1x16xf32>,
      %get3A_521 = vector.shape_cast %get3A_520 : vector<1x16xf32> to vector<16xf32>
      %add3A_522 = arith.addf %add3A_515, %get3A_521 : vector<16xf32>
      %add3A_523 = arith.constant 16 : i32
      %add3A_524 = arith.addi %mul3A_414, %add3A_523 : i32
      %get3A_525 = arith.index_cast %add3A_524 : i32 to index
      %get3A_526 = arith.constant 0 : index
      %get3A_527 = tpu.vector_load %arg6[%get3A_525, %get3A_526] {strides = array<i32>} : memref<1280x64xf32, #tpu.memory_space<vmem>>, vector<1x16xf32>,
      %get3A_528 = vector.shape_cast %get3A_527 : vector<1x16xf32> to vector<16xf32>
      %add3A_529 = arith.addf %add3A_522, %get3A_528 : vector<16xf32>
      %add3A_530 = arith.constant 17 : i32
      %add3A_531 = arith.addi %mul3A_414, %add3A_530 : i32
      %get3A_532 = arith.index_cast %add3A_531 : i32 to index
      %get3A_533 = arith.constant 0 : index
      %get3A_534 = tpu.vector_load %arg6[%get3A_532, %get3A_533] {strides = array<i32>} : memref<1280x64xf32, #tpu.memory_space<vmem>>, vector<1x16xf32>,
      %get3A_535 = vector.shape_cast %get3A_534 : vector<1x16xf32> to vector<16xf32>
      %add3A_536 = arith.addf %add3A_529, %get3A_535 : vector<16xf32>
      %add3A_537 = arith.constant 18 : i32
      %add3A_538 = arith.addi %mul3A_414, %add3A_537 : i32
      %get3A_539 = arith.index_cast %add3A_538 : i32 to index
      %get3A_540 = arith.constant 0 : index
      %get3A_541 = tpu.vector_load %arg6[%get3A_539, %get3A_540] {strides = array<i32>} : memref<1280x64xf32, #tpu.memory_space<vmem>>, vector<1x16xf32>,
      %get3A_542 = vector.shape_cast %get3A_541 : vector<1x16xf32> to vector<16xf32>
      %add3A_543 = arith.addf %add3A_536, %get3A_542 : vector<16xf32>
      %add3A_544 = arith.constant 19 : i32
      %add3A_545 = arith.addi %mul3A_414, %add3A_544 : i32
      %get3A_546 = arith.index_cast %add3A_545 : i32 to index
      %get3A_547 = arith.constant 0 : index
      %get3A_548 = tpu.vector_load %arg6[%get3A_546, %get3A_547] {strides = array<i32>} : memref<1280x64xf32, #tpu.memory_space<vmem>>, vector<1x16xf32>,
      %get3A_549 = vector.shape_cast %get3A_548 : vector<1x16xf32> to vector<16xf32>
      %add3A_550 = arith.addf %add3A_543, %get3A_549 : vector<16xf32>
      %add3A_551 = arith.constant 64 : i32
      %add3A_552 = arith.addi %add3A_551, %scan3A_412 : i32
      %swap3A = arith.index_cast %add3A_552 : i32 to index
      %swap3A_553 = arith.constant 0 : index
      %swap3A_554 = tpu.vector_load %arg7[%swap3A, %swap3A_553] {strides = array<i32>} : memref<128x64xf32, #tpu.memory_space<vmem>>, vector<1x16xf32>,
      %swap3A_555 = vector.shape_cast %swap3A_554 : vector<1x16xf32> to vector<16xf32>
      %swap3A_556 = vector.shape_cast %add3A_550 : vector<16xf32> to vector<1x16xf32>
      tpu.vector_store %arg7[%swap3A, %swap3A_553], %swap3A_556 {strides = array<i32>} : memref<128x64xf32, #tpu.memory_space<vmem>>, vector<1x16xf32>,
      %get3A_557 = arith.index_cast %mul3A_414 : i32 to index
      %get3A_558 = arith.constant 16 : index
      %get3A_559 = tpu.vector_load %arg6[%get3A_557, %get3A_558] {strides = array<i32>} : memref<1280x64xf32, #tpu.memory_space<vmem>>, vector<1x16xf32>,
      %get3A_560 = vector.shape_cast %get3A_559 : vector<1x16xf32> to vector<16xf32>
      %add3A_561 = arith.constant 1 : i32
      %add3A_562 = arith.addi %mul3A_414, %add3A_561 : i32
      %get3A_563 = arith.index_cast %add3A_562 : i32 to index
      %get3A_564 = arith.constant 16 : index
      %get3A_565 = tpu.vector_load %arg6[%get3A_563, %get3A_564] {strides = array<i32>} : memref<1280x64xf32, #tpu.memory_space<vmem>>, vector<1x16xf32>,
      %get3A_566 = vector.shape_cast %get3A_565 : vector<1x16xf32> to vector<16xf32>
      %add3A_567 = arith.addf %get3A_560, %get3A_566 : vector<16xf32>
      %add3A_568 = arith.constant 2 : i32
      %add3A_569 = arith.addi %mul3A_414, %add3A_568 : i32
      %get3A_570 = arith.index_cast %add3A_569 : i32 to index
      %get3A_571 = arith.constant 16 : index
      %get3A_572 = tpu.vector_load %arg6[%get3A_570, %get3A_571] {strides = array<i32>} : memref<1280x64xf32, #tpu.memory_space<vmem>>, vector<1x16xf32>,
      %get3A_573 = vector.shape_cast %get3A_572 : vector<1x16xf32> to vector<16xf32>
      %add3A_574 = arith.addf %add3A_567, %get3A_573 : vector<16xf32>
      %add3A_575 = arith.constant 3 : i32
      %add3A_576 = arith.addi %mul3A_414, %add3A_575 : i32
      %get3A_577 = arith.index_cast %add3A_576 : i32 to index
      %get3A_578 = arith.constant 16 : index
      %get3A_579 = tpu.vector_load %arg6[%get3A_577, %get3A_578] {strides = array<i32>} : memref<1280x64xf32, #tpu.memory_space<vmem>>, vector<1x16xf32>,
      %get3A_580 = vector.shape_cast %get3A_579 : vector<1x16xf32> to vector<16xf32>
      %add3A_581 = arith.addf %add3A_574, %get3A_580 : vector<16xf32>
      %add3A_582 = arith.constant 4 : i32
      %add3A_583 = arith.addi %mul3A_414, %add3A_582 : i32
      %get3A_584 = arith.index_cast %add3A_583 : i32 to index
      %get3A_585 = arith.constant 16 : index
      %get3A_586 = tpu.vector_load %arg6[%get3A_584, %get3A_585] {strides = array<i32>} : memref<1280x64xf32, #tpu.memory_space<vmem>>, vector<1x16xf32>,
      %get3A_587 = vector.shape_cast %get3A_586 : vector<1x16xf32> to vector<16xf32>
      %add3A_588 = arith.addf %add3A_581, %get3A_587 : vector<16xf32>
      %add3A_589 = arith.constant 5 : i32
      %add3A_590 = arith.addi %mul3A_414, %add3A_589 : i32
      %get3A_591 = arith.index_cast %add3A_590 : i32 to index
      %get3A_592 = arith.constant 16 : index
      %get3A_593 = tpu.vector_load %arg6[%get3A_591, %get3A_592] {strides = array<i32>} : memref<1280x64xf32, #tpu.memory_space<vmem>>, vector<1x16xf32>,
      %get3A_594 = vector.shape_cast %get3A_593 : vector<1x16xf32> to vector<16xf32>
      %add3A_595 = arith.addf %add3A_588, %get3A_594 : vector<16xf32>
      %add3A_596 = arith.constant 6 : i32
      %add3A_597 = arith.addi %mul3A_414, %add3A_596 : i32
      %get3A_598 = arith.index_cast %add3A_597 : i32 to index
      %get3A_599 = arith.constant 16 : index
      %get3A_600 = tpu.vector_load %arg6[%get3A_598, %get3A_599] {strides = array<i32>} : memref<1280x64xf32, #tpu.memory_space<vmem>>, vector<1x16xf32>,
      %get3A_601 = vector.shape_cast %get3A_600 : vector<1x16xf32> to vector<16xf32>
      %add3A_602 = arith.addf %add3A_595, %get3A_601 : vector<16xf32>
      %add3A_603 = arith.constant 7 : i32
      %add3A_604 = arith.addi %mul3A_414, %add3A_603 : i32
      %get3A_605 = arith.index_cast %add3A_604 : i32 to index
      %get3A_606 = arith.constant 16 : index
      %get3A_607 = tpu.vector_load %arg6[%get3A_605, %get3A_606] {strides = array<i32>} : memref<1280x64xf32, #tpu.memory_space<vmem>>, vector<1x16xf32>,
      %get3A_608 = vector.shape_cast %get3A_607 : vector<1x16xf32> to vector<16xf32>
      %add3A_609 = arith.addf %add3A_602, %get3A_608 : vector<16xf32>
      %add3A_610 = arith.constant 8 : i32
      %add3A_611 = arith.addi %mul3A_414, %add3A_610 : i32
      %get3A_612 = arith.index_cast %add3A_611 : i32 to index
      %get3A_613 = arith.constant 16 : index
      %get3A_614 = tpu.vector_load %arg6[%get3A_612, %get3A_613] {strides = array<i32>} : memref<1280x64xf32, #tpu.memory_space<vmem>>, vector<1x16xf32>,
      %get3A_615 = vector.shape_cast %get3A_614 : vector<1x16xf32> to vector<16xf32>
      %add3A_616 = arith.addf %add3A_609, %get3A_615 : vector<16xf32>
      %add3A_617 = arith.constant 9 : i32
      %add3A_618 = arith.addi %mul3A_414, %add3A_617 : i32
      %get3A_619 = arith.index_cast %add3A_618 : i32 to index
      %get3A_620 = arith.constant 16 : index
      %get3A_621 = tpu.vector_load %arg6[%get3A_619, %get3A_620] {strides = array<i32>} : memref<1280x64xf32, #tpu.memory_space<vmem>>, vector<1x16xf32>,
      %get3A_622 = vector.shape_cast %get3A_621 : vector<1x16xf32> to vector<16xf32>
      %add3A_623 = arith.addf %add3A_616, %get3A_622 : vector<16xf32>
      %add3A_624 = arith.constant 10 : i32
      %add3A_625 = arith.addi %mul3A_414, %add3A_624 : i32
      %get3A_626 = arith.index_cast %add3A_625 : i32 to index
      %get3A_627 = arith.constant 16 : index
      %get3A_628 = tpu.vector_load %arg6[%get3A_626, %get3A_627] {strides = array<i32>} : memref<1280x64xf32, #tpu.memory_space<vmem>>, vector<1x16xf32>,
      %get3A_629 = vector.shape_cast %get3A_628 : vector<1x16xf32> to vector<16xf32>
      %add3A_630 = arith.addf %add3A_623, %get3A_629 : vector<16xf32>
      %add3A_631 = arith.constant 11 : i32
      %add3A_632 = arith.addi %mul3A_414, %add3A_631 : i32
      %get3A_633 = arith.index_cast %add3A_632 : i32 to index
      %get3A_634 = arith.constant 16 : index
      %get3A_635 = tpu.vector_load %arg6[%get3A_633, %get3A_634] {strides = array<i32>} : memref<1280x64xf32, #tpu.memory_space<vmem>>, vector<1x16xf32>,
      %get3A_636 = vector.shape_cast %get3A_635 : vector<1x16xf32> to vector<16xf32>
      %add3A_637 = arith.addf %add3A_630, %get3A_636 : vector<16xf32>
      %add3A_638 = arith.constant 12 : i32
      %add3A_639 = arith.addi %mul3A_414, %add3A_638 : i32
      %get3A_640 = arith.index_cast %add3A_639 : i32 to index
      %get3A_641 = arith.constant 16 : index
      %get3A_642 = tpu.vector_load %arg6[%get3A_640, %get3A_641] {strides = array<i32>} : memref<1280x64xf32, #tpu.memory_space<vmem>>, vector<1x16xf32>,
      %get3A_643 = vector.shape_cast %get3A_642 : vector<1x16xf32> to vector<16xf32>
      %add3A_644 = arith.addf %add3A_637, %get3A_643 : vector<16xf32>
      %add3A_645 = arith.constant 13 : i32
      %add3A_646 = arith.addi %mul3A_414, %add3A_645 : i32
      %get3A_647 = arith.index_cast %add3A_646 : i32 to index
      %get3A_648 = arith.constant 16 : index
      %get3A_649 = tpu.vector_load %arg6[%get3A_647, %get3A_648] {strides = array<i32>} : memref<1280x64xf32, #tpu.memory_space<vmem>>, vector<1x16xf32>,
      %get3A_650 = vector.shape_cast %get3A_649 : vector<1x16xf32> to vector<16xf32>
      %add3A_651 = arith.addf %add3A_644, %get3A_650 : vector<16xf32>
      %add3A_652 = arith.constant 14 : i32
      %add3A_653 = arith.addi %mul3A_414, %add3A_652 : i32
      %get3A_654 = arith.index_cast %add3A_653 : i32 to index
      %get3A_655 = arith.constant 16 : index
      %get3A_656 = tpu.vector_load %arg6[%get3A_654, %get3A_655] {strides = array<i32>} : memref<1280x64xf32, #tpu.memory_space<vmem>>, vector<1x16xf32>,
      %get3A_657 = vector.shape_cast %get3A_656 : vector<1x16xf32> to vector<16xf32>
      %add3A_658 = arith.addf %add3A_651, %get3A_657 : vector<16xf32>
      %add3A_659 = arith.constant 15 : i32
      %add3A_660 = arith.addi %mul3A_414, %add3A_659 : i32
      %get3A_661 = arith.index_cast %add3A_660 : i32 to index
      %get3A_662 = arith.constant 16 : index
      %get3A_663 = tpu.vector_load %arg6[%get3A_661, %get3A_662] {strides = array<i32>} : memref<1280x64xf32, #tpu.memory_space<vmem>>, vector<1x16xf32>,
      %get3A_664 = vector.shape_cast %get3A_663 : vector<1x16xf32> to vector<16xf32>
      %add3A_665 = arith.addf %add3A_658, %get3A_664 : vector<16xf32>
      %add3A_666 = arith.constant 16 : i32
      %add3A_667 = arith.addi %mul3A_414, %add3A_666 : i32
      %get3A_668 = arith.index_cast %add3A_667 : i32 to index
      %get3A_669 = arith.constant 16 : index
      %get3A_670 = tpu.vector_load %arg6[%get3A_668, %get3A_669] {strides = array<i32>} : memref<1280x64xf32, #tpu.memory_space<vmem>>, vector<1x16xf32>,
      %get3A_671 = vector.shape_cast %get3A_670 : vector<1x16xf32> to vector<16xf32>
      %add3A_672 = arith.addf %add3A_665, %get3A_671 : vector<16xf32>
      %add3A_673 = arith.constant 17 : i32
      %add3A_674 = arith.addi %mul3A_414, %add3A_673 : i32
      %get3A_675 = arith.index_cast %add3A_674 : i32 to index
      %get3A_676 = arith.constant 16 : index
      %get3A_677 = tpu.vector_load %arg6[%get3A_675, %get3A_676] {strides = array<i32>} : memref<1280x64xf32, #tpu.memory_space<vmem>>, vector<1x16xf32>,
      %get3A_678 = vector.shape_cast %get3A_677 : vector<1x16xf32> to vector<16xf32>
      %add3A_679 = arith.addf %add3A_672, %get3A_678 : vector<16xf32>
      %add3A_680 = arith.constant 18 : i32
      %add3A_681 = arith.addi %mul3A_414, %add3A_680 : i32
      %get3A_682 = arith.index_cast %add3A_681 : i32 to index
      %get3A_683 = arith.constant 16 : index
      %get3A_684 = tpu.vector_load %arg6[%get3A_682, %get3A_683] {strides = array<i32>} : memref<1280x64xf32, #tpu.memory_space<vmem>>, vector<1x16xf32>,
      %get3A_685 = vector.shape_cast %get3A_684 : vector<1x16xf32> to vector<16xf32>
      %add3A_686 = arith.addf %add3A_679, %get3A_685 : vector<16xf32>
      %add3A_687 = arith.constant 19 : i32
      %add3A_688 = arith.addi %mul3A_414, %add3A_687 : i32
      %get3A_689 = arith.index_cast %add3A_688 : i32 to index
      %get3A_690 = arith.constant 16 : index
      %get3A_691 = tpu.vector_load %arg6[%get3A_689, %get3A_690] {strides = array<i32>} : memref<1280x64xf32, #tpu.memory_space<vmem>>, vector<1x16xf32>,
      %get3A_692 = vector.shape_cast %get3A_691 : vector<1x16xf32> to vector<16xf32>
      %add3A_693 = arith.addf %add3A_686, %get3A_692 : vector<16xf32>
      %add3A_694 = arith.constant 64 : i32
      %add3A_695 = arith.addi %add3A_694, %scan3A_412 : i32
      %swap3A_696 = arith.index_cast %add3A_695 : i32 to index
      %swap3A_697 = arith.constant 16 : index
      %swap3A_698 = tpu.vector_load %arg7[%swap3A_696, %swap3A_697] {strides = array<i32>} : memref<128x64xf32, #tpu.memory_space<vmem>>, vector<1x16xf32>,
      %swap3A_699 = vector.shape_cast %swap3A_698 : vector<1x16xf32> to vector<16xf32>
      %swap3A_700 = vector.shape_cast %add3A_693 : vector<16xf32> to vector<1x16xf32>
      tpu.vector_store %arg7[%swap3A_696, %swap3A_697], %swap3A_700 {strides = array<i32>} : memref<128x64xf32, #tpu.memory_space<vmem>>, vector<1x16xf32>,
      %get3A_701 = arith.index_cast %mul3A_414 : i32 to index
      %get3A_702 = arith.constant 32 : index
      %get3A_703 = tpu.vector_load %arg6[%get3A_701, %get3A_702] {strides = array<i32>} : memref<1280x64xf32, #tpu.memory_space<vmem>>, vector<1x16xf32>,
      %get3A_704 = vector.shape_cast %get3A_703 : vector<1x16xf32> to vector<16xf32>
      %add3A_705 = arith.constant 1 : i32
      %add3A_706 = arith.addi %mul3A_414, %add3A_705 : i32
      %get3A_707 = arith.index_cast %add3A_706 : i32 to index
      %get3A_708 = arith.constant 32 : index
      %get3A_709 = tpu.vector_load %arg6[%get3A_707, %get3A_708] {strides = array<i32>} : memref<1280x64xf32, #tpu.memory_space<vmem>>, vector<1x16xf32>,
      %get3A_710 = vector.shape_cast %get3A_709 : vector<1x16xf32> to vector<16xf32>
      %add3A_711 = arith.addf %get3A_704, %get3A_710 : vector<16xf32>
      %add3A_712 = arith.constant 2 : i32
      %add3A_713 = arith.addi %mul3A_414, %add3A_712 : i32
      %get3A_714 = arith.index_cast %add3A_713 : i32 to index
      %get3A_715 = arith.constant 32 : index
      %get3A_716 = tpu.vector_load %arg6[%get3A_714, %get3A_715] {strides = array<i32>} : memref<1280x64xf32, #tpu.memory_space<vmem>>, vector<1x16xf32>,
      %get3A_717 = vector.shape_cast %get3A_716 : vector<1x16xf32> to vector<16xf32>
      %add3A_718 = arith.addf %add3A_711, %get3A_717 : vector<16xf32>
      %add3A_719 = arith.constant 3 : i32
      %add3A_720 = arith.addi %mul3A_414, %add3A_719 : i32
      %get3A_721 = arith.index_cast %add3A_720 : i32 to index
      %get3A_722 = arith.constant 32 : index
      %get3A_723 = tpu.vector_load %arg6[%get3A_721, %get3A_722] {strides = array<i32>} : memref<1280x64xf32, #tpu.memory_space<vmem>>, vector<1x16xf32>,
      %get3A_724 = vector.shape_cast %get3A_723 : vector<1x16xf32> to vector<16xf32>
      %add3A_725 = arith.addf %add3A_718, %get3A_724 : vector<16xf32>
      %add3A_726 = arith.constant 4 : i32
      %add3A_727 = arith.addi %mul3A_414, %add3A_726 : i32
      %get3A_728 = arith.index_cast %add3A_727 : i32 to index
      %get3A_729 = arith.constant 32 : index
      %get3A_730 = tpu.vector_load %arg6[%get3A_728, %get3A_729] {strides = array<i32>} : memref<1280x64xf32, #tpu.memory_space<vmem>>, vector<1x16xf32>,
      %get3A_731 = vector.shape_cast %get3A_730 : vector<1x16xf32> to vector<16xf32>
      %add3A_732 = arith.addf %add3A_725, %get3A_731 : vector<16xf32>
      %add3A_733 = arith.constant 5 : i32
      %add3A_734 = arith.addi %mul3A_414, %add3A_733 : i32
      %get3A_735 = arith.index_cast %add3A_734 : i32 to index
      %get3A_736 = arith.constant 32 : index
      %get3A_737 = tpu.vector_load %arg6[%get3A_735, %get3A_736] {strides = array<i32>} : memref<1280x64xf32, #tpu.memory_space<vmem>>, vector<1x16xf32>,
      %get3A_738 = vector.shape_cast %get3A_737 : vector<1x16xf32> to vector<16xf32>
      %add3A_739 = arith.addf %add3A_732, %get3A_738 : vector<16xf32>
      %add3A_740 = arith.constant 6 : i32
      %add3A_741 = arith.addi %mul3A_414, %add3A_740 : i32
      %get3A_742 = arith.index_cast %add3A_741 : i32 to index
      %get3A_743 = arith.constant 32 : index
      %get3A_744 = tpu.vector_load %arg6[%get3A_742, %get3A_743] {strides = array<i32>} : memref<1280x64xf32, #tpu.memory_space<vmem>>, vector<1x16xf32>,
      %get3A_745 = vector.shape_cast %get3A_744 : vector<1x16xf32> to vector<16xf32>
      %add3A_746 = arith.addf %add3A_739, %get3A_745 : vector<16xf32>
      %add3A_747 = arith.constant 7 : i32
      %add3A_748 = arith.addi %mul3A_414, %add3A_747 : i32
      %get3A_749 = arith.index_cast %add3A_748 : i32 to index
      %get3A_750 = arith.constant 32 : index
      %get3A_751 = tpu.vector_load %arg6[%get3A_749, %get3A_750] {strides = array<i32>} : memref<1280x64xf32, #tpu.memory_space<vmem>>, vector<1x16xf32>,
      %get3A_752 = vector.shape_cast %get3A_751 : vector<1x16xf32> to vector<16xf32>
      %add3A_753 = arith.addf %add3A_746, %get3A_752 : vector<16xf32>
      %add3A_754 = arith.constant 8 : i32
      %add3A_755 = arith.addi %mul3A_414, %add3A_754 : i32
      %get3A_756 = arith.index_cast %add3A_755 : i32 to index
      %get3A_757 = arith.constant 32 : index
      %get3A_758 = tpu.vector_load %arg6[%get3A_756, %get3A_757] {strides = array<i32>} : memref<1280x64xf32, #tpu.memory_space<vmem>>, vector<1x16xf32>,
      %get3A_759 = vector.shape_cast %get3A_758 : vector<1x16xf32> to vector<16xf32>
      %add3A_760 = arith.addf %add3A_753, %get3A_759 : vector<16xf32>
      %add3A_761 = arith.constant 9 : i32
      %add3A_762 = arith.addi %mul3A_414, %add3A_761 : i32
      %get3A_763 = arith.index_cast %add3A_762 : i32 to index
      %get3A_764 = arith.constant 32 : index
      %get3A_765 = tpu.vector_load %arg6[%get3A_763, %get3A_764] {strides = array<i32>} : memref<1280x64xf32, #tpu.memory_space<vmem>>, vector<1x16xf32>,
      %get3A_766 = vector.shape_cast %get3A_765 : vector<1x16xf32> to vector<16xf32>
      %add3A_767 = arith.addf %add3A_760, %get3A_766 : vector<16xf32>
      %add3A_768 = arith.constant 10 : i32
      %add3A_769 = arith.addi %mul3A_414, %add3A_768 : i32
      %get3A_770 = arith.index_cast %add3A_769 : i32 to index
      %get3A_771 = arith.constant 32 : index
      %get3A_772 = tpu.vector_load %arg6[%get3A_770, %get3A_771] {strides = array<i32>} : memref<1280x64xf32, #tpu.memory_space<vmem>>, vector<1x16xf32>,
      %get3A_773 = vector.shape_cast %get3A_772 : vector<1x16xf32> to vector<16xf32>
      %add3A_774 = arith.addf %add3A_767, %get3A_773 : vector<16xf32>
      %add3A_775 = arith.constant 11 : i32
      %add3A_776 = arith.addi %mul3A_414, %add3A_775 : i32
      %get3A_777 = arith.index_cast %add3A_776 : i32 to index
      %get3A_778 = arith.constant 32 : index
      %get3A_779 = tpu.vector_load %arg6[%get3A_777, %get3A_778] {strides = array<i32>} : memref<1280x64xf32, #tpu.memory_space<vmem>>, vector<1x16xf32>,
      %get3A_780 = vector.shape_cast %get3A_779 : vector<1x16xf32> to vector<16xf32>
      %add3A_781 = arith.addf %add3A_774, %get3A_780 : vector<16xf32>
      %add3A_782 = arith.constant 12 : i32
      %add3A_783 = arith.addi %mul3A_414, %add3A_782 : i32
      %get3A_784 = arith.index_cast %add3A_783 : i32 to index
      %get3A_785 = arith.constant 32 : index
      %get3A_786 = tpu.vector_load %arg6[%get3A_784, %get3A_785] {strides = array<i32>} : memref<1280x64xf32, #tpu.memory_space<vmem>>, vector<1x16xf32>,
      %get3A_787 = vector.shape_cast %get3A_786 : vector<1x16xf32> to vector<16xf32>
      %add3A_788 = arith.addf %add3A_781, %get3A_787 : vector<16xf32>
      %add3A_789 = arith.constant 13 : i32
      %add3A_790 = arith.addi %mul3A_414, %add3A_789 : i32
      %get3A_791 = arith.index_cast %add3A_790 : i32 to index
      %get3A_792 = arith.constant 32 : index
      %get3A_793 = tpu.vector_load %arg6[%get3A_791, %get3A_792] {strides = array<i32>} : memref<1280x64xf32, #tpu.memory_space<vmem>>, vector<1x16xf32>,
      %get3A_794 = vector.shape_cast %get3A_793 : vector<1x16xf32> to vector<16xf32>
      %add3A_795 = arith.addf %add3A_788, %get3A_794 : vector<16xf32>
      %add3A_796 = arith.constant 14 : i32
      %add3A_797 = arith.addi %mul3A_414, %add3A_796 : i32
      %get3A_798 = arith.index_cast %add3A_797 : i32 to index
      %get3A_799 = arith.constant 32 : index
      %get3A_800 = tpu.vector_load %arg6[%get3A_798, %get3A_799] {strides = array<i32>} : memref<1280x64xf32, #tpu.memory_space<vmem>>, vector<1x16xf32>,
      %get3A_801 = vector.shape_cast %get3A_800 : vector<1x16xf32> to vector<16xf32>
      %add3A_802 = arith.addf %add3A_795, %get3A_801 : vector<16xf32>
      %add3A_803 = arith.constant 15 : i32
      %add3A_804 = arith.addi %mul3A_414, %add3A_803 : i32
      %get3A_805 = arith.index_cast %add3A_804 : i32 to index
      %get3A_806 = arith.constant 32 : index
      %get3A_807 = tpu.vector_load %arg6[%get3A_805, %get3A_806] {strides = array<i32>} : memref<1280x64xf32, #tpu.memory_space<vmem>>, vector<1x16xf32>,
      %get3A_808 = vector.shape_cast %get3A_807 : vector<1x16xf32> to vector<16xf32>
      %add3A_809 = arith.addf %add3A_802, %get3A_808 : vector<16xf32>
      %add3A_810 = arith.constant 16 : i32
      %add3A_811 = arith.addi %mul3A_414, %add3A_810 : i32
      %get3A_812 = arith.index_cast %add3A_811 : i32 to index
      %get3A_813 = arith.constant 32 : index
      %get3A_814 = tpu.vector_load %arg6[%get3A_812, %get3A_813] {strides = array<i32>} : memref<1280x64xf32, #tpu.memory_space<vmem>>, vector<1x16xf32>,
      %get3A_815 = vector.shape_cast %get3A_814 : vector<1x16xf32> to vector<16xf32>
      %add3A_816 = arith.addf %add3A_809, %get3A_815 : vector<16xf32>
      %add3A_817 = arith.constant 17 : i32
      %add3A_818 = arith.addi %mul3A_414, %add3A_817 : i32
      %get3A_819 = arith.index_cast %add3A_818 : i32 to index
      %get3A_820 = arith.constant 32 : index
      %get3A_821 = tpu.vector_load %arg6[%get3A_819, %get3A_820] {strides = array<i32>} : memref<1280x64xf32, #tpu.memory_space<vmem>>, vector<1x16xf32>,
      %get3A_822 = vector.shape_cast %get3A_821 : vector<1x16xf32> to vector<16xf32>
      %add3A_823 = arith.addf %add3A_816, %get3A_822 : vector<16xf32>
      %add3A_824 = arith.constant 18 : i32
      %add3A_825 = arith.addi %mul3A_414, %add3A_824 : i32
      %get3A_826 = arith.index_cast %add3A_825 : i32 to index
      %get3A_827 = arith.constant 32 : index
      %get3A_828 = tpu.vector_load %arg6[%get3A_826, %get3A_827] {strides = array<i32>} : memref<1280x64xf32, #tpu.memory_space<vmem>>, vector<1x16xf32>,
      %get3A_829 = vector.shape_cast %get3A_828 : vector<1x16xf32> to vector<16xf32>
      %add3A_830 = arith.addf %add3A_823, %get3A_829 : vector<16xf32>
      %add3A_831 = arith.constant 19 : i32
      %add3A_832 = arith.addi %mul3A_414, %add3A_831 : i32
      %get3A_833 = arith.index_cast %add3A_832 : i32 to index
      %get3A_834 = arith.constant 32 : index
      %get3A_835 = tpu.vector_load %arg6[%get3A_833, %get3A_834] {strides = array<i32>} : memref<1280x64xf32, #tpu.memory_space<vmem>>, vector<1x16xf32>,
      %get3A_836 = vector.shape_cast %get3A_835 : vector<1x16xf32> to vector<16xf32>
      %add3A_837 = arith.addf %add3A_830, %get3A_836 : vector<16xf32>
      %add3A_838 = arith.constant 64 : i32
      %add3A_839 = arith.addi %add3A_838, %scan3A_412 : i32
      %swap3A_840 = arith.index_cast %add3A_839 : i32 to index
      %swap3A_841 = arith.constant 32 : index
      %swap3A_842 = tpu.vector_load %arg7[%swap3A_840, %swap3A_841] {strides = array<i32>} : memref<128x64xf32, #tpu.memory_space<vmem>>, vector<1x16xf32>,
      %swap3A_843 = vector.shape_cast %swap3A_842 : vector<1x16xf32> to vector<16xf32>
      %swap3A_844 = vector.shape_cast %add3A_837 : vector<16xf32> to vector<1x16xf32>
      tpu.vector_store %arg7[%swap3A_840, %swap3A_841], %swap3A_844 {strides = array<i32>} : memref<128x64xf32, #tpu.memory_space<vmem>>, vector<1x16xf32>,
      %get3A_845 = arith.index_cast %mul3A_414 : i32 to index
      %get3A_846 = arith.constant 48 : index
      %get3A_847 = tpu.vector_load %arg6[%get3A_845, %get3A_846] {strides = array<i32>} : memref<1280x64xf32, #tpu.memory_space<vmem>>, vector<1x16xf32>,
      %get3A_848 = vector.shape_cast %get3A_847 : vector<1x16xf32> to vector<16xf32>
      %add3A_849 = arith.constant 1 : i32
      %add3A_850 = arith.addi %mul3A_414, %add3A_849 : i32
      %get3A_851 = arith.index_cast %add3A_850 : i32 to index
      %get3A_852 = arith.constant 48 : index
      %get3A_853 = tpu.vector_load %arg6[%get3A_851, %get3A_852] {strides = array<i32>} : memref<1280x64xf32, #tpu.memory_space<vmem>>, vector<1x16xf32>,
      %get3A_854 = vector.shape_cast %get3A_853 : vector<1x16xf32> to vector<16xf32>
      %add3A_855 = arith.addf %get3A_848, %get3A_854 : vector<16xf32>
      %add3A_856 = arith.constant 2 : i32
      %add3A_857 = arith.addi %mul3A_414, %add3A_856 : i32
      %get3A_858 = arith.index_cast %add3A_857 : i32 to index
      %get3A_859 = arith.constant 48 : index
      %get3A_860 = tpu.vector_load %arg6[%get3A_858, %get3A_859] {strides = array<i32>} : memref<1280x64xf32, #tpu.memory_space<vmem>>, vector<1x16xf32>,
      %get3A_861 = vector.shape_cast %get3A_860 : vector<1x16xf32> to vector<16xf32>
      %add3A_862 = arith.addf %add3A_855, %get3A_861 : vector<16xf32>
      %add3A_863 = arith.constant 3 : i32
      %add3A_864 = arith.addi %mul3A_414, %add3A_863 : i32
      %get3A_865 = arith.index_cast %add3A_864 : i32 to index
      %get3A_866 = arith.constant 48 : index
      %get3A_867 = tpu.vector_load %arg6[%get3A_865, %get3A_866] {strides = array<i32>} : memref<1280x64xf32, #tpu.memory_space<vmem>>, vector<1x16xf32>,
      %get3A_868 = vector.shape_cast %get3A_867 : vector<1x16xf32> to vector<16xf32>
      %add3A_869 = arith.addf %add3A_862, %get3A_868 : vector<16xf32>
      %add3A_870 = arith.constant 4 : i32
      %add3A_871 = arith.addi %mul3A_414, %add3A_870 : i32
      %get3A_872 = arith.index_cast %add3A_871 : i32 to index
      %get3A_873 = arith.constant 48 : index
      %get3A_874 = tpu.vector_load %arg6[%get3A_872, %get3A_873] {strides = array<i32>} : memref<1280x64xf32, #tpu.memory_space<vmem>>, vector<1x16xf32>,
      %get3A_875 = vector.shape_cast %get3A_874 : vector<1x16xf32> to vector<16xf32>
      %add3A_876 = arith.addf %add3A_869, %get3A_875 : vector<16xf32>
      %add3A_877 = arith.constant 5 : i32
      %add3A_878 = arith.addi %mul3A_414, %add3A_877 : i32
      %get3A_879 = arith.index_cast %add3A_878 : i32 to index
      %get3A_880 = arith.constant 48 : index
      %get3A_881 = tpu.vector_load %arg6[%get3A_879, %get3A_880] {strides = array<i32>} : memref<1280x64xf32, #tpu.memory_space<vmem>>, vector<1x16xf32>,
      %get3A_882 = vector.shape_cast %get3A_881 : vector<1x16xf32> to vector<16xf32>
      %add3A_883 = arith.addf %add3A_876, %get3A_882 : vector<16xf32>
      %add3A_884 = arith.constant 6 : i32
      %add3A_885 = arith.addi %mul3A_414, %add3A_884 : i32
      %get3A_886 = arith.index_cast %add3A_885 : i32 to index
      %get3A_887 = arith.constant 48 : index
      %get3A_888 = tpu.vector_load %arg6[%get3A_886, %get3A_887] {strides = array<i32>} : memref<1280x64xf32, #tpu.memory_space<vmem>>, vector<1x16xf32>,
      %get3A_889 = vector.shape_cast %get3A_888 : vector<1x16xf32> to vector<16xf32>
      %add3A_890 = arith.addf %add3A_883, %get3A_889 : vector<16xf32>
      %add3A_891 = arith.constant 7 : i32
      %add3A_892 = arith.addi %mul3A_414, %add3A_891 : i32
      %get3A_893 = arith.index_cast %add3A_892 : i32 to index
      %get3A_894 = arith.constant 48 : index
      %get3A_895 = tpu.vector_load %arg6[%get3A_893, %get3A_894] {strides = array<i32>} : memref<1280x64xf32, #tpu.memory_space<vmem>>, vector<1x16xf32>,
      %get3A_896 = vector.shape_cast %get3A_895 : vector<1x16xf32> to vector<16xf32>
      %add3A_897 = arith.addf %add3A_890, %get3A_896 : vector<16xf32>
      %add3A_898 = arith.constant 8 : i32
      %add3A_899 = arith.addi %mul3A_414, %add3A_898 : i32
      %get3A_900 = arith.index_cast %add3A_899 : i32 to index
      %get3A_901 = arith.constant 48 : index
      %get3A_902 = tpu.vector_load %arg6[%get3A_900, %get3A_901] {strides = array<i32>} : memref<1280x64xf32, #tpu.memory_space<vmem>>, vector<1x16xf32>,
      %get3A_903 = vector.shape_cast %get3A_902 : vector<1x16xf32> to vector<16xf32>
      %add3A_904 = arith.addf %add3A_897, %get3A_903 : vector<16xf32>
      %add3A_905 = arith.constant 9 : i32
      %add3A_906 = arith.addi %mul3A_414, %add3A_905 : i32
      %get3A_907 = arith.index_cast %add3A_906 : i32 to index
      %get3A_908 = arith.constant 48 : index
      %get3A_909 = tpu.vector_load %arg6[%get3A_907, %get3A_908] {strides = array<i32>} : memref<1280x64xf32, #tpu.memory_space<vmem>>, vector<1x16xf32>,
      %get3A_910 = vector.shape_cast %get3A_909 : vector<1x16xf32> to vector<16xf32>
      %add3A_911 = arith.addf %add3A_904, %get3A_910 : vector<16xf32>
      %add3A_912 = arith.constant 10 : i32
      %add3A_913 = arith.addi %mul3A_414, %add3A_912 : i32
      %get3A_914 = arith.index_cast %add3A_913 : i32 to index
      %get3A_915 = arith.constant 48 : index
      %get3A_916 = tpu.vector_load %arg6[%get3A_914, %get3A_915] {strides = array<i32>} : memref<1280x64xf32, #tpu.memory_space<vmem>>, vector<1x16xf32>,
      %get3A_917 = vector.shape_cast %get3A_916 : vector<1x16xf32> to vector<16xf32>
      %add3A_918 = arith.addf %add3A_911, %get3A_917 : vector<16xf32>
      %add3A_919 = arith.constant 11 : i32
      %add3A_920 = arith.addi %mul3A_414, %add3A_919 : i32
      %get3A_921 = arith.index_cast %add3A_920 : i32 to index
      %get3A_922 = arith.constant 48 : index
      %get3A_923 = tpu.vector_load %arg6[%get3A_921, %get3A_922] {strides = array<i32>} : memref<1280x64xf32, #tpu.memory_space<vmem>>, vector<1x16xf32>,
      %get3A_924 = vector.shape_cast %get3A_923 : vector<1x16xf32> to vector<16xf32>
      %add3A_925 = arith.addf %add3A_918, %get3A_924 : vector<16xf32>
      %add3A_926 = arith.constant 12 : i32
      %add3A_927 = arith.addi %mul3A_414, %add3A_926 : i32
      %get3A_928 = arith.index_cast %add3A_927 : i32 to index
      %get3A_929 = arith.constant 48 : index
      %get3A_930 = tpu.vector_load %arg6[%get3A_928, %get3A_929] {strides = array<i32>} : memref<1280x64xf32, #tpu.memory_space<vmem>>, vector<1x16xf32>,
      %get3A_931 = vector.shape_cast %get3A_930 : vector<1x16xf32> to vector<16xf32>
      %add3A_932 = arith.addf %add3A_925, %get3A_931 : vector<16xf32>
      %add3A_933 = arith.constant 13 : i32
      %add3A_934 = arith.addi %mul3A_414, %add3A_933 : i32
      %get3A_935 = arith.index_cast %add3A_934 : i32 to index
      %get3A_936 = arith.constant 48 : index
      %get3A_937 = tpu.vector_load %arg6[%get3A_935, %get3A_936] {strides = array<i32>} : memref<1280x64xf32, #tpu.memory_space<vmem>>, vector<1x16xf32>,
      %get3A_938 = vector.shape_cast %get3A_937 : vector<1x16xf32> to vector<16xf32>
      %add3A_939 = arith.addf %add3A_932, %get3A_938 : vector<16xf32>
      %add3A_940 = arith.constant 14 : i32
      %add3A_941 = arith.addi %mul3A_414, %add3A_940 : i32
      %get3A_942 = arith.index_cast %add3A_941 : i32 to index
      %get3A_943 = arith.constant 48 : index
      %get3A_944 = tpu.vector_load %arg6[%get3A_942, %get3A_943] {strides = array<i32>} : memref<1280x64xf32, #tpu.memory_space<vmem>>, vector<1x16xf32>,
      %get3A_945 = vector.shape_cast %get3A_944 : vector<1x16xf32> to vector<16xf32>
      %add3A_946 = arith.addf %add3A_939, %get3A_945 : vector<16xf32>
      %add3A_947 = arith.constant 15 : i32
      %add3A_948 = arith.addi %mul3A_414, %add3A_947 : i32
      %get3A_949 = arith.index_cast %add3A_948 : i32 to index
      %get3A_950 = arith.constant 48 : index
      %get3A_951 = tpu.vector_load %arg6[%get3A_949, %get3A_950] {strides = array<i32>} : memref<1280x64xf32, #tpu.memory_space<vmem>>, vector<1x16xf32>,
      %get3A_952 = vector.shape_cast %get3A_951 : vector<1x16xf32> to vector<16xf32>
      %add3A_953 = arith.addf %add3A_946, %get3A_952 : vector<16xf32>
      %add3A_954 = arith.constant 16 : i32
      %add3A_955 = arith.addi %mul3A_414, %add3A_954 : i32
      %get3A_956 = arith.index_cast %add3A_955 : i32 to index
      %get3A_957 = arith.constant 48 : index
      %get3A_958 = tpu.vector_load %arg6[%get3A_956, %get3A_957] {strides = array<i32>} : memref<1280x64xf32, #tpu.memory_space<vmem>>, vector<1x16xf32>,
      %get3A_959 = vector.shape_cast %get3A_958 : vector<1x16xf32> to vector<16xf32>
      %add3A_960 = arith.addf %add3A_953, %get3A_959 : vector<16xf32>
      %add3A_961 = arith.constant 17 : i32
      %add3A_962 = arith.addi %mul3A_414, %add3A_961 : i32
      %get3A_963 = arith.index_cast %add3A_962 : i32 to index
      %get3A_964 = arith.constant 48 : index
      %get3A_965 = tpu.vector_load %arg6[%get3A_963, %get3A_964] {strides = array<i32>} : memref<1280x64xf32, #tpu.memory_space<vmem>>, vector<1x16xf32>,
      %get3A_966 = vector.shape_cast %get3A_965 : vector<1x16xf32> to vector<16xf32>
      %add3A_967 = arith.addf %add3A_960, %get3A_966 : vector<16xf32>
      %add3A_968 = arith.constant 18 : i32
      %add3A_969 = arith.addi %mul3A_414, %add3A_968 : i32
      %get3A_970 = arith.index_cast %add3A_969 : i32 to index
      %get3A_971 = arith.constant 48 : index
      %get3A_972 = tpu.vector_load %arg6[%get3A_970, %get3A_971] {strides = array<i32>} : memref<1280x64xf32, #tpu.memory_space<vmem>>, vector<1x16xf32>,
      %get3A_973 = vector.shape_cast %get3A_972 : vector<1x16xf32> to vector<16xf32>
      %add3A_974 = arith.addf %add3A_967, %get3A_973 : vector<16xf32>
      %add3A_975 = arith.constant 19 : i32
      %add3A_976 = arith.addi %mul3A_414, %add3A_975 : i32
      %get3A_977 = arith.index_cast %add3A_976 : i32 to index
      %get3A_978 = arith.constant 48 : index
      %get3A_979 = tpu.vector_load %arg6[%get3A_977, %get3A_978] {strides = array<i32>} : memref<1280x64xf32, #tpu.memory_space<vmem>>, vector<1x16xf32>,
      %get3A_980 = vector.shape_cast %get3A_979 : vector<1x16xf32> to vector<16xf32>
      %add3A_981 = arith.addf %add3A_974, %get3A_980 : vector<16xf32>
      %add3A_982 = arith.constant 64 : i32
      %add3A_983 = arith.addi %add3A_982, %scan3A_412 : i32
      %swap3A_984 = arith.index_cast %add3A_983 : i32 to index
      %swap3A_985 = arith.constant 48 : index
      %swap3A_986 = tpu.vector_load %arg7[%swap3A_984, %swap3A_985] {strides = array<i32>} : memref<128x64xf32, #tpu.memory_space<vmem>>, vector<1x16xf32>,
      %swap3A_987 = vector.shape_cast %swap3A_986 : vector<1x16xf32> to vector<16xf32>
      %swap3A_988 = vector.shape_cast %add3A_981 : vector<16xf32> to vector<1x16xf32>
      tpu.vector_store %arg7[%swap3A_984, %swap3A_985], %swap3A_988 {strides = array<i32>} : memref<128x64xf32, #tpu.memory_space<vmem>>, vector<1x16xf32>,
    }
    %scan3A_409 = arith.constant 64 : i32
    %mul3A_410 = arith.constant 128 : i32
    %mul3A_411 = arith.muli %add3A, %mul3A_410 : i32
    "tpu.region"() ({
      %run_scoped3A = tpu.sem_alloc : memref<!tpu.dma_semaphore, #tpu.memory_space<semaphore_mem>>
      %dma_start3A_412 = arith.constant 0 : i32
      %dma_start3A_413 = tpu.memref_slice %arg4[%mul3A_411, %dma_start3A_412] : memref<4096x64xf32, #tpu.memory_space<hbm>> -> memref<128x64xf32, #tpu.memory_space<hbm>>
      %dma_start3A_414 = arith.constant 0 : i32
      %dma_start3A_415 = tpu.memref_slice %arg4[%mul3A_411, %dma_start3A_414] : memref<4096x64xf32, #tpu.memory_space<hbm>> -> memref<128x64xf32, #tpu.memory_space<hbm>>
      tpu.enqueue_dma source(%arg7 : memref<128x64xf32, #tpu.memory_space<vmem>>) target(%dma_start3A_415 : memref<128x64xf32, #tpu.memory_space<hbm>>) target_semaphore(%run_scoped3A : memref<!tpu.dma_semaphore, #tpu.memory_space<semaphore_mem>>)
      %dma_wait3A_416 = arith.constant 0 : i32
      %dma_wait3A_417 = tpu.memref_slice %arg4[%mul3A_411, %dma_wait3A_416] : memref<4096x64xf32, #tpu.memory_space<hbm>> -> memref<128x64xf32, #tpu.memory_space<hbm>>
      %dma_wait3A_418 = arith.constant 0 : i32
      %dma_wait3A_419 = tpu.memref_slice %arg4[%mul3A_411, %dma_wait3A_418] : memref<4096x64xf32, #tpu.memory_space<hbm>> -> memref<128x64xf32, #tpu.memory_space<hbm>>
      tpu.wait_dma2 semaphore(%run_scoped3A : memref<!tpu.dma_semaphore, #tpu.memory_space<semaphore_mem>>) src(%arg7 : memref<128x64xf32, #tpu.memory_space<vmem>>) dst(%dma_wait3A_419 : memref<128x64xf32, #tpu.memory_space<hbm>>)
      tpu.yield
    }) : () -> ()
    return
  }
}

module attributes {stable_mosaic.version = 14 : i64} {
  func.func @_lse_body(%arg0: i32, %arg1: memref<4096x66xbf16, #tpu.memory_space<vmem>>, %arg2: memref<2048x66xbf16, #tpu.memory_space<vmem>>, %arg3: memref<4096x1xf32, #tpu.memory_space<vmem>>, %arg4: memref<4096x128xf32, #tpu.memory_space<vmem>>) attributes {dimension_semantics = [#tpu.dimension_semantics<arbitrary>], iteration_bounds = array<i64: 49>, scalar_prefetch = 0 : i64, scratch_operands = 1 : i64, tpu.core_type = #tpu.core_type<tc>, window_params = [{pipeline_mode = #tpu.pipeline_mode<synchronous>, transform_indices = @transform_0, window_bounds = array<i64: 4096, 66>}, {transform_indices = @transform_1, window_bounds = array<i64: 2048, 66>}, {pipeline_mode = #tpu.pipeline_mode<synchronous>, transform_indices = @transform_2, window_bounds = array<i64: 4096, 1>}]} {
    %get3A = arith.constant 0 : index
    %get3A_0 = arith.constant 0 : index
    %get3A_1 = vector.load %arg1[%get3A, %get3A_0] : memref<4096x66xbf16, #tpu.memory_space<vmem>>, vector<4096x66xbf16>
    %get3A_2 = arith.constant 0 : index
    %get3A_3 = arith.constant 0 : index
    %get3A_4 = vector.load %arg2[%get3A_2, %get3A_3] : memref<2048x66xbf16, #tpu.memory_space<vmem>>, vector<2048x66xbf16>
    %dot_general3A = arith.constant dense<0.000000e+00> : vector<4096x2048xf32>
    %dot_general3A_5 = tpu.matmul %get3A_1, %get3A_4, %dot_general3A {dimension_numbers = #tpu.dot_dimension_numbers<[1], [1], [0], [0], [0, 0, 1, 0], [], []>, transpose_lhs_hint = false} : vector<4096x66xbf16>, vector<2048x66xbf16>, vector<4096x2048xf32> -> vector<4096x2048xf32>
    %exp23A = math.exp2 %dot_general3A_5 : vector<4096x2048xf32>
    %slice3A = vector.extract_strided_slice %exp23A {offsets = [0, 0], sizes = [4096, 128], strides = [1, 1]} : vector<4096x2048xf32> to vector<4096x128xf32>
    %slice3A_6 = vector.extract_strided_slice %exp23A {offsets = [0, 128], sizes = [4096, 128], strides = [1, 1]} : vector<4096x2048xf32> to vector<4096x128xf32>
    %slice3A_7 = vector.extract_strided_slice %exp23A {offsets = [0, 256], sizes = [4096, 128], strides = [1, 1]} : vector<4096x2048xf32> to vector<4096x128xf32>
    %slice3A_8 = vector.extract_strided_slice %exp23A {offsets = [0, 384], sizes = [4096, 128], strides = [1, 1]} : vector<4096x2048xf32> to vector<4096x128xf32>
    %slice3A_9 = vector.extract_strided_slice %exp23A {offsets = [0, 512], sizes = [4096, 128], strides = [1, 1]} : vector<4096x2048xf32> to vector<4096x128xf32>
    %slice3A_10 = vector.extract_strided_slice %exp23A {offsets = [0, 640], sizes = [4096, 128], strides = [1, 1]} : vector<4096x2048xf32> to vector<4096x128xf32>
    %slice3A_11 = vector.extract_strided_slice %exp23A {offsets = [0, 768], sizes = [4096, 128], strides = [1, 1]} : vector<4096x2048xf32> to vector<4096x128xf32>
    %slice3A_12 = vector.extract_strided_slice %exp23A {offsets = [0, 896], sizes = [4096, 128], strides = [1, 1]} : vector<4096x2048xf32> to vector<4096x128xf32>
    %slice3A_13 = vector.extract_strided_slice %exp23A {offsets = [0, 1024], sizes = [4096, 128], strides = [1, 1]} : vector<4096x2048xf32> to vector<4096x128xf32>
    %slice3A_14 = vector.extract_strided_slice %exp23A {offsets = [0, 1152], sizes = [4096, 128], strides = [1, 1]} : vector<4096x2048xf32> to vector<4096x128xf32>
    %slice3A_15 = vector.extract_strided_slice %exp23A {offsets = [0, 1280], sizes = [4096, 128], strides = [1, 1]} : vector<4096x2048xf32> to vector<4096x128xf32>
    %slice3A_16 = vector.extract_strided_slice %exp23A {offsets = [0, 1408], sizes = [4096, 128], strides = [1, 1]} : vector<4096x2048xf32> to vector<4096x128xf32>
    %slice3A_17 = vector.extract_strided_slice %exp23A {offsets = [0, 1536], sizes = [4096, 128], strides = [1, 1]} : vector<4096x2048xf32> to vector<4096x128xf32>
    %slice3A_18 = vector.extract_strided_slice %exp23A {offsets = [0, 1664], sizes = [4096, 128], strides = [1, 1]} : vector<4096x2048xf32> to vector<4096x128xf32>
    %slice3A_19 = vector.extract_strided_slice %exp23A {offsets = [0, 1792], sizes = [4096, 128], strides = [1, 1]} : vector<4096x2048xf32> to vector<4096x128xf32>
    %slice3A_20 = vector.extract_strided_slice %exp23A {offsets = [0, 1920], sizes = [4096, 128], strides = [1, 1]} : vector<4096x2048xf32> to vector<4096x128xf32>
    %add3A = arith.addf %slice3A, %slice3A_6 : vector<4096x128xf32>
    %add3A_21 = arith.addf %slice3A_7, %slice3A_8 : vector<4096x128xf32>
    %add3A_22 = arith.addf %slice3A_9, %slice3A_10 : vector<4096x128xf32>
    %add3A_23 = arith.addf %slice3A_11, %slice3A_12 : vector<4096x128xf32>
    %add3A_24 = arith.addf %slice3A_13, %slice3A_14 : vector<4096x128xf32>
    %add3A_25 = arith.addf %slice3A_15, %slice3A_16 : vector<4096x128xf32>
    %add3A_26 = arith.addf %slice3A_17, %slice3A_18 : vector<4096x128xf32>
    %add3A_27 = arith.addf %slice3A_19, %slice3A_20 : vector<4096x128xf32>
    %add3A_28 = arith.addf %add3A, %add3A_21 : vector<4096x128xf32>
    %add3A_29 = arith.addf %add3A_22, %add3A_23 : vector<4096x128xf32>
    %add3A_30 = arith.addf %add3A_24, %add3A_25 : vector<4096x128xf32>
    %add3A_31 = arith.addf %add3A_26, %add3A_27 : vector<4096x128xf32>
    %add3A_32 = arith.addf %add3A_28, %add3A_29 : vector<4096x128xf32>
    %add3A_33 = arith.addf %add3A_30, %add3A_31 : vector<4096x128xf32>
    %add3A_34 = arith.addf %add3A_32, %add3A_33 : vector<4096x128xf32>
    %eq3A = arith.constant 0 : i32
    %eq3A_35 = arith.cmpi eq, %arg0, %eq3A : i32
    %get3A_36 = arith.constant 0 : index
    %get3A_37 = arith.constant 0 : index
    %get3A_38 = vector.load %arg4[%get3A_36, %get3A_37] : memref<4096x128xf32, #tpu.memory_space<vmem>>, vector<4096x128xf32>
    %add3A_39 = arith.addf %get3A_38, %add3A_34 : vector<4096x128xf32>
    %select_n3A = arith.select %eq3A_35, %add3A_34, %add3A_39 : vector<4096x128xf32>
    %swap3A = arith.constant 0 : index
    %swap3A_40 = arith.constant 0 : index
    %swap3A_41 = vector.load %arg4[%swap3A, %swap3A_40] : memref<4096x128xf32, #tpu.memory_space<vmem>>, vector<4096x128xf32>
    tpu.vector_store %arg4[%swap3A, %swap3A_40], %select_n3A {strides = array<i32>} : memref<4096x128xf32, #tpu.memory_space<vmem>>, vector<4096x128xf32>,
    %eq3A_42 = arith.constant 48 : i32
    %eq3A_43 = arith.cmpi eq, %arg0, %eq3A_42 : i32
    %convert_element_type3A = arith.extui %eq3A_43 : i1 to i32
    %cond3A = arith.constant 0 : i32
    %cond3A_44 = arith.cmpi ne, %convert_element_type3A, %cond3A : i32
    scf.if %cond3A_44 {
      %get3A_45 = arith.constant 0 : index
      %get3A_46 = arith.constant 0 : index
      %get3A_47 = vector.load %arg4[%get3A_45, %get3A_46] : memref<4096x128xf32, #tpu.memory_space<vmem>>, vector<4096x128xf32>
      %reduce_sum3A = arith.constant dense<0.000000e+00> : vector<4096xf32>
      %reduce_sum3A_48 = vector.multi_reduction <add>, %get3A_47, %reduce_sum3A [1] : vector<4096x128xf32> to vector<4096xf32>
      %broadcast_in_dim3A = vector.shape_cast %reduce_sum3A_48 : vector<4096xf32> to vector<4096x1xf32>
      %log3A = math.log %broadcast_in_dim3A : vector<4096x1xf32>
      %swap3A_49 = arith.constant 0 : index
      %swap3A_50 = arith.constant 0 : index
      %swap3A_51 = vector.load %arg3[%swap3A_49, %swap3A_50] : memref<4096x1xf32, #tpu.memory_space<vmem>>, vector<4096x1xf32>
      tpu.vector_store %arg3[%swap3A_49, %swap3A_50], %log3A {strides = array<i32>} : memref<4096x1xf32, #tpu.memory_space<vmem>>, vector<4096x1xf32>,
    } else {
    }
    return
  }
  func.func @transform_0(%arg0: i32) -> (i32, i32) {
    %c0_i32 = arith.constant 0 : i32
    %c0_i32_0 = arith.constant 0 : i32
    %c0_i32_1 = arith.constant 0 : i32
    return %c0_i32, %c0_i32_0 : i32, i32
  }
  func.func @transform_1(%arg0: i32) -> (i32, i32) {
    %c0_i32 = arith.constant 0 : i32
    %c0_i32_0 = arith.constant 0 : i32
    return %arg0, %c0_i32 : i32, i32
  }
  func.func @transform_2(%arg0: i32) -> (i32, i32) {
    %c0_i32 = arith.constant 0 : i32
    %c0_i32_0 = arith.constant 0 : i32
    %c0_i32_1 = arith.constant 0 : i32
    return %c0_i32, %c0_i32_0 : i32, i32
  }
}

module attributes {stable_mosaic.version = 14 : i64} {
  func.func @_out_body(%arg0: i32, %arg1: i32, %arg2: memref<128x66xbf16, #tpu.memory_space<vmem>>, %arg3: memref<25088x66xbf16, #tpu.memory_space<vmem>>, %arg4: memref<128x25088xbf16, #tpu.memory_space<vmem>>) attributes {dimension_semantics = [#tpu.dimension_semantics<arbitrary>, #tpu.dimension_semantics<arbitrary>], iteration_bounds = array<i64: 4, 32>, scalar_prefetch = 0 : i64, scratch_operands = 0 : i64, tpu.core_type = #tpu.core_type<tc>, window_params = [{transform_indices = @transform_0, window_bounds = array<i64: 128, 66>}, {transform_indices = @transform_1, window_bounds = array<i64: 25088, 66>}, {transform_indices = @transform_2, window_bounds = array<i64: 128, 25088>}]} {
    %get3A = arith.constant 0 : index
    %get3A_0 = arith.constant 0 : index
    %get3A_1 = vector.load %arg2[%get3A, %get3A_0] : memref<128x66xbf16, #tpu.memory_space<vmem>>, vector<128x66xbf16>
    %get3A_2 = arith.constant 0 : index
    %get3A_3 = arith.constant 0 : index
    %get3A_4 = vector.load %arg3[%get3A_2, %get3A_3] : memref<25088x66xbf16, #tpu.memory_space<vmem>>, vector<25088x66xbf16>
    %dot_general3A = arith.constant dense<0.000000e+00> : vector<128x25088xf32>
    %dot_general3A_5 = tpu.matmul %get3A_1, %get3A_4, %dot_general3A {dimension_numbers = #tpu.dot_dimension_numbers<[1], [1], [0], [0], [0, 0, 1, 0], [], []>, transpose_lhs_hint = false} : vector<128x66xbf16>, vector<25088x66xbf16>, vector<128x25088xf32> -> vector<128x25088xf32>
    %convert_element_type3A = arith.truncf %dot_general3A_5 : vector<128x25088xf32> to vector<128x25088xbf16>
    %swap3A = arith.constant 0 : index
    %swap3A_6 = arith.constant 0 : index
    %swap3A_7 = vector.load %arg4[%swap3A, %swap3A_6] : memref<128x25088xbf16, #tpu.memory_space<vmem>>, vector<128x25088xbf16>
    tpu.vector_store %arg4[%swap3A, %swap3A_6], %convert_element_type3A {strides = array<i32>} : memref<128x25088xbf16, #tpu.memory_space<vmem>>, vector<128x25088xbf16>,
    return
  }
  func.func @transform_0(%arg0: i32, %arg1: i32) -> (i32, i32) {
    %c0_i32 = arith.constant 0 : i32
    %c0_i32_0 = arith.constant 0 : i32
    return %arg1, %c0_i32 : i32, i32
  }
  func.func @transform_1(%arg0: i32, %arg1: i32) -> (i32, i32) {
    %c0_i32 = arith.constant 0 : i32
    %c0_i32_0 = arith.constant 0 : i32
    return %arg0, %c0_i32 : i32, i32
  }
  func.func @transform_2(%arg0: i32, %arg1: i32) -> (i32, i32) {
    %c0_i32 = arith.constant 0 : i32
    return %arg1, %arg0 : i32, i32
  }
}

</mosaic_0001>

<sc_bundles>
// kernel: kernel.5.cloned.1.call-start
scs
__scs_entry_jumppad:
0x0: {  	(pc) =	sbr.rel $0x88, $3  }
0x1: {  	(tag) =	ssettag $0x0;
	lr =	simm.s32 $0x1  }
0x2: {  	[smem:$0x3F9D] =	sst lr;
	_ =	strace $0xD0000000  }
0x3: {  	_ = 	snop  }
0x4: {  	_ = 	snop  }
0x5: {  	_ = 	snop  }
0x6: {  	_ = 	snop  }
0x7: {  	_ = 	snop  }
__scs_overlays_trampoline_lowered:
0x8: {  	[smem:$0x3FAC] =	sst s0  }
0x9: {  	[smem:$0x3FAD] =	sst s1  }
0xa: {  	[smem:$0x3FAE] =	sst s2  }
0xb: {  	[smem:$0x3FAF] =	sst s3  }
0xc: {  	[smem:$0x3FB0] =	sst s4  }
0xd: {  	[smem:$0x3FB1] =	sst s5  }
0xe: {  	[smem:$0x3FB2] =	sst s6  }
0xf: {  	[smem:$0x3FB3] =	sst s7  }
0x10: {  	[smem:$0x3FB4] =	sst s8  }
0x11: {  	[smem:$0x3FB5] =	sst s9;
	s0 =	simm.s32 @!p0 $0x0  }
0x12: {  	s1 =	sld [smem:$0x3F9B];
	s0 =	simm.s32 @p0 $0x1  }
0x13: {  	[smem:$0x3FB6] =	sst s0;
	s0 =	simm.s32 @!p1 $0x0  }
0x14: {  	s2 =	sld [smem:$0x3F9A];
	s0 =	simm.s32 @p1 $0x1  }
0x15: {  	[smem:$0x3FB7] =	sst s0;
	s0 =	simm.s32 @!p2 $0x0  }
0x16: {  	s3 =	sld [smem:$0x3FDB];
	s0 =	simm.s32 @p2 $0x1  }
0x17: {  	s4 =	simm.s32 $0x1BF5;
	[smem:$0x3FB9] =	sst s0  }
0x18: {  	s0 =	sld [smem:$0x3F9C];
	_ =	swait.ge [sflag:s4], $0x0  }
0x19: {  	s7 =	sld [smem:$0x3F9D]  }
0x1a: {  	s8 =	sadd.s32 $0xFFFFE003, lr  }
0x1b: {  	s9 =	sadd.s32 $0xFFFFFEF7, lr;
	s5 =	simm.s32 $0xFFFFFFFF;
	p2 =	slt.u32 s8, $0xFFFFF086  }
0x1c: {  	p1 =	slt.u32 s9, $0xF7A;
	s5 =	simm.s32 @!p2 $0x0  }
0x1d: {  	s5 =	simm.s32 @p1 $0x1;
	p0 =	seq.s32 s7, s2  }
0x1e: {  	s7 =	smul.u32 @!p0 $0xF7A, s2;
	p2 =	seq.s32 @!p0 s5, $0x0  }
0x1f: {  	s9 =	smul.u32 $0xF7A, s1;
	s8 =	simm.s32 @!p0 $0x1BF5;
	p2 =	por !p2, p0  }
0x20: {  	[sflag:s8] =	ssyncset.s32 @!p0 $0xFFFFF086;
	s6 =	sadd.s32 @!p0 s3, s7;
	s7 =	simm.s32 @!p0 $0x108  }
0x21: {  	s3 =	sadd.s32 s3, s9;
	s6 =	sadd.s32 @!p0 $0x88, s6;
	s7 =	simm.s32 @p2 $0x1082  }
0x22: {  	[simem:s7], [sflag:s8] =	dma.local @!p0 [hbm:s6], $0xF7A  }
0x23: {  	s9 =	sor.u32 $0xD0000000, s2;
	s6 =	simm.s32 $0x108;
	_ =	swait.ge @!p0 [sflag:s8], $0x0  }
0x24: {  	s3 =	sadd.s32 $0x88, s3;
	s6 =	simm.s32 @!p1 $0x1082;
	[sflag:s4] =	ssyncset.s32 $0xFFFFF086  }
0x25: {  	[simem:s6], [sflag:s4] =	dma.local [hbm:s3], $0xF7A  }
0x26: {  	[smem:$0x3F9D] =	sst s1;
	(tag) =	ssettag s2;
	_ =	strace s9  }
0x27: {  	s1 =	sld [smem:$0x3FAD]  }
0x28: {  	s2 =	sld [smem:$0x3FAE]  }
0x29: {  	s4 =	sld [smem:$0x3FB0]  }
0x2a: {  	p0 =	seq.s32 s5, $0x0;
	s5 =	sld [smem:$0x3FB1]  }
0x2b: {  	s6 =	sld [smem:$0x3FB2]  }
0x2c: {  	s7 =	sld [smem:$0x3FB3]  }
0x2d: {  	s3 =	simm.s32 $0x108;
	s8 =	sld [smem:$0x3FB4]  }
0x2e: {  	s3 =	simm.s32 @!p0 $0x1082;
	s9 =	sld [smem:$0x3FB5]  }
0x2f: {  	lr =	sadd.s32 s0, s3;
	s0 =	sld [smem:$0x3FAC]  }
0x30: {  	s3 =	sld [smem:$0x3FAF]  }
0x31: {  	[smem:$0x3FB8] =	sst s10  }
0x32: {  	s10 =	sld [smem:$0x3FB6];
	_ =	sdelay $0x3  }
0x33: {  	p0 =	seq.s32 s10, $0x1;
	s10 =	sld [smem:$0x3FB8];
	_ =	sdelay $0x3  }
0x34: {  	[smem:$0x3FB8] =	sst s10  }
0x35: {  	s10 =	sld [smem:$0x3FB7];
	_ =	sdelay $0x3  }
0x36: {  	p1 =	seq.s32 s10, $0x1;
	s10 =	sld [smem:$0x3FB8];
	_ =	sdelay $0x3  }
0x37: {  	[smem:$0x3FB8] =	sst s10  }
0x38: {  	s10 =	sld [smem:$0x3FB9]  }
0x39: {  	_ = 	snop;
	(pc) =	sbr.ind lr, $3  }
0x3a: {  	_ = 	snop  }
0x3b: {  	_ = 	snop  }
0x3c: {  	p2 =	seq.s32 s10, $0x1;
	s10 =	sld [smem:$0x3FB8]  }
0x3d: {  	_ =	shalt  }
0x3e: {  	_ =	shalt  }
0x3f: {  	_ =	shalt  }
0x40: {  	_ =	shalt  }
0x41: {  	_ =	shalt  }
0x42: {  	_ =	shalt  }
0x43: {  	_ =	shalt  }
0x44: {  	_ =	shalt  }
0x45: {  	_ =	shalt  }
0x46: {  	_ =	shalt  }
0x47: {  	_ =	shalt  }
0x48: {  	_ =	shalt  }
0x49: {  	_ =	shalt  }
0x4a: {  	_ =	shalt  }
0x4b: {  	_ =	shalt  }
0x4c: {  	_ =	shalt  }
0x4d: {  	_ =	shalt  }
0x4e: {  	_ =	shalt  }
0x4f: {  	_ =	shalt  }
0x50: {  	_ =	shalt  }
0x51: {  	_ =	shalt  }
0x52: {  	_ =	shalt  }
0x53: {  	_ =	shalt  }
0x54: {  	_ =	shalt  }
0x55: {  	_ =	shalt  }
0x56: {  	_ =	shalt  }
0x57: {  	_ =	shalt  }
0x58: {  	_ =	shalt  }
0x59: {  	_ =	shalt  }
0x5a: {  	_ =	shalt  }
0x5b: {  	_ =	shalt  }
0x5c: {  	_ =	shalt  }
0x5d: {  	_ =	shalt  }
0x5e: {  	_ =	shalt  }
0x5f: {  	_ =	shalt  }
0x60: {  	_ =	shalt  }
0x61: {  	_ =	shalt  }
0x62: {  	_ =	shalt  }
0x63: {  	_ =	shalt  }
0x64: {  	_ =	shalt  }
0x65: {  	_ =	shalt  }
0x66: {  	_ =	shalt  }
0x67: {  	_ =	shalt  }
0x68: {  	_ =	shalt  }
0x69: {  	_ =	shalt  }
0x6a: {  	_ =	shalt  }
0x6b: {  	_ =	shalt  }
0x6c: {  	_ =	shalt  }
0x6d: {  	_ =	shalt  }
0x6e: {  	_ =	shalt  }
0x6f: {  	_ =	shalt  }
0x70: {  	_ =	shalt  }
0x71: {  	_ =	shalt  }
0x72: {  	_ =	shalt  }
0x73: {  	_ =	shalt  }
0x74: {  	_ =	shalt  }
0x75: {  	_ =	shalt  }
0x76: {  	_ =	shalt  }
0x77: {  	_ =	shalt  }
0x78: {  	_ =	shalt  }
0x79: {  	_ =	shalt  }
0x7a: {  	_ =	shalt  }
0x7b: {  	_ =	shalt  }
0x7c: {  	_ =	shalt  }
0x7d: {  	_ =	shalt  }
0x7e: {  	_ =	shalt  }
0x7f: {  	_ =	shalt  }
0x80: {  	_ =	shalt  }
0x81: {  	_ =	shalt  }
0x82: {  	_ =	shalt  }
0x83: {  	_ =	shalt  }
0x84: {  	_ =	shalt  }
0x85: {  	_ =	shalt  }
0x86: {  	_ =	shalt  }
0x87: {  	_ =	shalt  }
.Lfunc_end0:
.L_simem_size_0:
called_computation_lowered:
.L_overlay_start_0:
0x88: {  	s2 =	sld [smem:$0x3FD9]  }
0x89: {  	s3 =	sld [smem:$0x3FFE];
	_ =	sdelay $0x1  }
0x8a: {  	s1 =	srdreg.scid  }
0x8b: {  	s0 =	sand.u32 $0x1, s1  }
0x8c: {  	s16 =	sshll.u32 s0, $0xA;
	s2 =	sadd.s32 s3, s2  }
0x8d: {  	s2 =	sadd.s32 s2, s16  }
0x8e: {  	[smem:$0x3FC4] =	sst s2  }
0x8f: {  	_ = 	snop  }
0x90: {  	(tm) =	ssettm $0x1  }
0x91: {  	s17 =	sld [smem:$0x3FFB];
	_ =	sdelay $0x3  }
0x92: {  	_ =	strace s17  }
0x93: {  	s2 =	sld [smem:$0x3FFC];
	_ =	sdelay $0x3  }
0x94: {  	_ =	strace s2  }
0x95: {  	s2 =	sld [smem:$0x3FFD];
	_ =	sdelay $0x3  }
0x96: {  	_ =	strace s2  }
0x97: {  	_ =	strace $0x8FFFFFFF  }
0x98: {  	s18 =	sld [smem:$0x3FDB];
	_ =	sdelay $0x1  }
0x99: {  	s19 =	simm.s32 $_scs_section_size  }
0x9a: {  	s4 =	simm.s32 $_size__tile_overlayer_lowered;
	s5 =	simm.s32 $_tile_overlayer_lowered  }
0x9b: {  	s22 =	simm.s32 $0x1BFF;
	s21 =	sshll.u32 s5, $0x1;
	s2 =	sadd.s32 s19, s18  }
0x9c: {  	s6 =	simm.s32 $0x0;
	s20 =	sshll.u32 s4, $0x1;
	s4 =	sadd.s32 s21, s2  }
0x9d: {  	[timem:s6], [sflag:s22] =	dma.local [hbm:s4], s20  }
0x9e: {  	_ =	swait.ge [sflag:s22], s20  }
0x9f: {  	s3 =	ssub.s32 $0x0, s20;
	[sflag:s22] =	ssyncset.done $0x0  }
0xa0: {  	[sflag:s22] =	ssyncadd.s32 s3;
	_ =	sdelay $0x1  }
0xa1: {  	s23 =	simm.s32 $0x1B8B  }
0xa2: {  	_ =	swait.ge [sflag:s23], $0x1  }
0xa3: {  	[sflag:s23] =	ssyncset.done $0x0  }
0xa4: {  	s25 =	simm.s32 $0x1B8E;
	s24 =	sld [smem:$0x3FFE];
	[sflag:s23] =	ssyncadd.s32 $0xFFFFFFFF  }
0xa5: {  	s26 =	simm.s32 $execute0_lowered;
	[smem:$0x3FD2] =	sst s25  }
0xa6: {  	s4 =	sshll.u32 s26, $0x1;
	_ =	strace $0x80000046;
	[dreg:$0x1] =	wrdreg $0xFFFFFFFF  }
0xa7: {  	s28 =	simm.s32 $_size_execute0_lowered;
	s2 =	sadd.s32 s2, s4;
	[dreg:$0x0] =	wrdreg $0x0  }
0xa8: {  	s4 =	sshll.u32 s28, $0x1;
	[dreg:$0x2] =	wrdreg s2  }
0xa9: {  	[dreg:$0x3] =	wrdreg s4  }
0xaa: {  	[dreg:$0x4] =	wrdreg $0xC0  }
0xab: {  	_ =	task [dreg:s6], $0x5FFFF  }
0xac: {  	[dreg:$0x1] =	wrdreg $0xFFFFFFFF  }
0xad: {  	[dreg:$0x0] =	wrdreg $0x60  }
0xae: {  	[dreg:$0x2] =	wrdreg s24  }
0xaf: {  	[dreg:$0x3] =	wrdreg $0x9  }
0xb0: {  	_ =	task.clear_ibuf [dreg:s6], $0x4FFFF;
	_ =	strace $0x90000046  }
0xb1: {  	s29 =	simm.s32 $0x9;
	_ =	strace $0x80000048  }
0xb2: {  	_ =	swait.ge [sflag:s29], $0x1  }
0xb3: {  	[sflag:s29] =	ssyncadd.s32 $0xFFFFFFFF  }
0xb4: {  	_ =	strace $0x90000048  }
0xb5: {  	_ =	sfence  }
0xb6: {  	s30 =	sld [smem:$0x0];
	_ =	sdelay $0x2  }
0xb7: {  	s31 =	sshll.u32 s1, $0xD;
	s1 =	sshrl.u32 s1, $0x2  }
0xb8: {  	s3 =	sand.u32 $0x4000, s31;
	s1 =	sadd.s32 s1, s30  }
0xb9: {  	s0 =	sor.u32 s3, s0;
	s1 =	sshll.u32 s1, $0x11  }
0xba: {  	s0 =	sor.u32 s1, s0  }
0xbb: {  	s0 =	sadd.s32 $0x8F2B, s0  }
0xbc: {  	[sflag:s0] =	ssyncadd.remote.s32 $0x1  }
0xbd: {  	_ =	sfence.sel $0xFFFF  }
0xbe: {  	[dreg:$0x0] =	wrdreg $0xFFFFFFFF;
	(pc) =	sbr.abs _section_cstart, $3  }
0xbf: {  	[dreg:$0x1] =	wrdreg $0xFFFFFFFF  }
0xc0: {  	_ =	task.clear_ibuf [dreg:s6], $0x2FFFF;
	_ =	strace $0x9FFFFFFF  }
0xc1: {  	(tm) =	ssettm $0x7FFFFFFF  }
tec
execute0_lowered:
.L_overlay_start_1:
0x0: {  	(tag) =	ssettag $0x1  }
0x1: {  	s0 =	srdreg.scid  }
0x2: {  	s2 =	stileid.u32;
	s1 =	rddreg [dreg:$0x0]  }
0x3: {  	s7 =	simm.s32 $0x2;
	s8 =	simm.s32 $0x80;
	s9 =	simm.s32 $0xA00  }
0x4: {  	s10 =	simm.s32 $0x2A00;
	s12 =	simm.s32 $0x4A00;
	s14 =	simm.s32 $0x6A00  }
0x5: {  	s16 =	simm.s32 $0x8A00;
	s18 =	simm.s32 $0xAA00;
	s20 =	simm.s32 $0xCA00  }
0x6: {  	s22 =	simm.s32 $0xEA00;
	s24 =	simm.s32 $0x10A00;
	s26 =	simm.s32 $0x12A00  }
0x7: {  	s28 =	simm.s32 $0x1;
	s11 =	simm.s32 $0x780;
	s13 =	simm.s32 $0x800  }
0x8: {  	s15 =	simm.s32 $0x880;
	s17 =	simm.s32 $0x900;
	s19 =	simm.s32 $0x980  }
0x9: {  	s21 =	simm.s32 $0x14A00;
	s0 =	sand.u32 $0x1, s0;
	s3 =	sshll.u32 s2, $0x1  }
0xa: {  	s23 =	simm.s32 $0x0;
	s2 =	simm.s32 $0x0;
	s3 =	sor.u32 s0, s3  }
0xb: {  	[smem:$0x7FF] =	sst s2;
	s0 =	ssub.s32 $0x2, s0;
	s4 =	smul.u32 $0x140, s3  }
0xc: {  	_ =	strace $0x80000047;
	s5 =	sshll.u32 s3, $0xA;
	s6 =	sshrl.u32 s0, $0x1  }
0xd: {  	s3 =	sadd.s32 $0x3000, s1;
	s0 =	ssub.s32 s0, s6;
	s4 =	sadd.s32 s4, s1  }
0xe: {  	s1 =	sadd.s32 s5, s1;
	s6 =	smax.u32 s0, $0x1;
	s0 =	simm.s32 $0x700  }
0xf: {  	s4 =	sadd.s32 $0x800, s4;
	s5 =	sadd.s32 $0xC6600, s1;
	s1 =	simm.s32 $0x680  }
.LBB2_1:
0x10: {  	[tilespmem:s2], [sflag:$0x2] =	stream.linear.gather [hbm4b:s4+s2], $0xA00, $0x38;
	[tilespmem:$0x16A00] =	vst v63  }
0x11: {  	_ =	swait.ge [sflag:s7], $0xA00  }
0x12: {  	[sflag:s7] =	ssyncset.done $0x0  }
0x13: {  	[sflag:s7] =	ssyncadd.s32 $0xFFFFF600  }
0x14: {  	[tilespmem:s9], [sflag:$0x1] =	stream.indirect.gather [hbm4b:s3+s8], $0x40, s2, s8, $0xb8;
	[tilespmem:$0x16A00] =	vst v63  }
0x15: {  	_ = 	snop  }
0x16: {  	[tilespmem:s10], [sflag:$0x1] =	stream.indirect.gather [hbm4b:s3+s8], $0x40, s8, s8, $0xb8;
	[tilespmem:$0x16A00] =	vst v63  }
0x17: {  	s25 =	simm.s32 $0x100  }
0x18: {  	[tilespmem:s12], [sflag:$0x1] =	stream.indirect.gather [hbm4b:s3+s8], $0x40, s25, s8, $0xb8;
	[tilespmem:$0x16A00] =	vst v63  }
0x19: {  	s31 =	simm.s32 $0x180  }
0x1a: {  	[tilespmem:s14], [sflag:$0x1] =	stream.indirect.gather [hbm4b:s3+s8], $0x40, s31, s8, $0xb8;
	[tilespmem:$0x16A00] =	vst v63  }
0x1b: {  	s31 =	simm.s32 $0x200  }
0x1c: {  	[tilespmem:s16], [sflag:$0x1] =	stream.indirect.gather [hbm4b:s3+s8], $0x40, s31, s8, $0xb8;
	[tilespmem:$0x16A00] =	vst v63  }
0x1d: {  	s31 =	simm.s32 $0x280  }
0x1e: {  	[tilespmem:s18], [sflag:$0x1] =	stream.indirect.gather [hbm4b:s3+s8], $0x40, s31, s8, $0xb8;
	[tilespmem:$0x16A00] =	vst v63  }
0x1f: {  	s31 =	simm.s32 $0x300  }
0x20: {  	[tilespmem:s20], [sflag:$0x1] =	stream.indirect.gather [hbm4b:s3+s8], $0x40, s31, s8, $0xb8;
	[tilespmem:$0x16A00] =	vst v63  }
0x21: {  	s31 =	simm.s32 $0x380  }
0x22: {  	[tilespmem:s22], [sflag:$0x1] =	stream.indirect.gather [hbm4b:s3+s8], $0x40, s31, s8, $0xb8;
	[tilespmem:$0x16A00] =	vst v63  }
0x23: {  	s31 =	simm.s32 $0x400  }
0x24: {  	[tilespmem:s24], [sflag:$0x1] =	stream.indirect.gather [hbm4b:s3+s8], $0x40, s31, s8, $0xb8;
	[tilespmem:$0x16A00] =	vst v63  }
0x25: {  	s31 =	simm.s32 $0x480  }
0x26: {  	[tilespmem:s26], [sflag:$0x1] =	stream.indirect.gather [hbm4b:s3+s8], $0x40, s31, s8, $0xb8;
	[tilespmem:$0x16A00] =	vst v63  }
0x27: {  	_ =	swait.ge [sflag:s28], $0x2000  }
0x28: {  	[sflag:s28] =	ssyncset.done $0x0  }
0x29: {  	[sflag:s28] =	ssyncadd.s32 $0xFFFFE000  }
0x2a: {  	_ =	swait.ge [sflag:s28], $0x2000  }
0x2b: {  	[sflag:s28] =	ssyncset.done $0x0  }
0x2c: {  	[sflag:s28] =	ssyncadd.s32 $0xFFFFE000  }
0x2d: {  	_ =	swait.ge [sflag:s28], $0x2000  }
0x2e: {  	[sflag:s28] =	ssyncset.done $0x0  }
0x2f: {  	[sflag:s28] =	ssyncadd.s32 $0xFFFFE000  }
0x30: {  	_ =	swait.ge [sflag:s28], $0x2000  }
0x31: {  	[sflag:s28] =	ssyncset.done $0x0  }
0x32: {  	[sflag:s28] =	ssyncadd.s32 $0xFFFFE000  }
0x33: {  	_ =	swait.ge [sflag:s28], $0x2000  }
0x34: {  	[sflag:s28] =	ssyncset.done $0x0  }
0x35: {  	[sflag:s28] =	ssyncadd.s32 $0xFFFFE000  }
0x36: {  	_ =	swait.ge [sflag:s28], $0x2000  }
0x37: {  	[sflag:s28] =	ssyncset.done $0x0  }
0x38: {  	[sflag:s28] =	ssyncadd.s32 $0xFFFFE000  }
0x39: {  	_ =	swait.ge [sflag:s28], $0x2000  }
0x3a: {  	[sflag:s28] =	ssyncset.done $0x0  }
0x3b: {  	[sflag:s28] =	ssyncadd.s32 $0xFFFFE000  }
0x3c: {  	_ =	swait.ge [sflag:s28], $0x2000  }
0x3d: {  	[sflag:s28] =	ssyncset.done $0x0  }
0x3e: {  	[sflag:s28] =	ssyncadd.s32 $0xFFFFE000  }
0x3f: {  	_ =	swait.ge [sflag:s28], $0x2000  }
0x40: {  	[sflag:s28] =	ssyncset.done $0x0  }
0x41: {  	[sflag:s28] =	ssyncadd.s32 $0xFFFFE000  }
0x42: {  	_ =	swait.ge [sflag:s28], $0x2000  }
0x43: {  	[sflag:s28] =	ssyncset.done $0x0  }
0x44: {  	s25 =	simm.s32 $0xC80;
	[sflag:s28] =	ssyncadd.s32 $0xFFFFE000  }
0x45: {  	v0 =	vld [tilespmem:s25+$0xFFFFFDC0]  }
0x46: {  	v1 =	vld [tilespmem:s25+$0xFFFFFD80];
	_ =	sdelay $0x1  }
0x47: {  	v2 =	vld [tilespmem:s25+$0xFFFFFE00];
	_ =	sdelay $0x1  }
0x48: {  	v3 =	vld [tilespmem:s25+$0xFFFFFE40]  }
0x49: {  	v0 =	vadd.f32 v0, v1  }
0x4a: {  	v1 =	vld [tilespmem:s25+$0xFFFFFE80]  }
0x4b: {  	v0 =	vadd.f32 v2, v0  }
0x4c: {  	v2 =	vld [tilespmem:s25+$0xFFFFFEC0]  }
0x4d: {  	v0 =	vadd.f32 v3, v0  }
0x4e: {  	v3 =	vld [tilespmem:s25+$0xFFFFFF00]  }
0x4f: {  	v0 =	vadd.f32 v1, v0  }
0x50: {  	v1 =	vld [tilespmem:s25+$0xFFFFFF40]  }
0x51: {  	v0 =	vadd.f32 v2, v0  }
0x52: {  	v2 =	vld [tilespmem:s25+$0xFFFFFF80]  }
0x53: {  	v0 =	vadd.f32 v3, v0  }
0x54: {  	v3 =	vld [tilespmem:s25+$0xFFFFFFC0]  }
0x55: {  	v0 =	vadd.f32 v1, v0  }
0x56: {  	v1 =	vld [tilespmem:s25+$0x0]  }
0x57: {  	v0 =	vadd.f32 v2, v0  }
0x58: {  	v2 =	vld [tilespmem:s25+$0x40]  }
0x59: {  	v0 =	vadd.f32 v3, v0  }
0x5a: {  	v3 =	vld [tilespmem:s25+$0x80]  }
0x5b: {  	v0 =	vadd.f32 v1, v0  }
0x5c: {  	v1 =	vld [tilespmem:s25+$0xC0]  }
0x5d: {  	v0 =	vadd.f32 v2, v0  }
0x5e: {  	v2 =	vld [tilespmem:s25+$0x100]  }
0x5f: {  	v0 =	vadd.f32 v3, v0  }
0x60: {  	v3 =	vld [tilespmem:s25+$0x140]  }
0x61: {  	v0 =	vadd.f32 v1, v0  }
0x62: {  	v1 =	vld [tilespmem:s25+$0x180]  }
0x63: {  	v0 =	vadd.f32 v2, v0  }
0x64: {  	v2 =	vld [tilespmem:s25+$0x1C0]  }
0x65: {  	v0 =	vadd.f32 v3, v0  }
0x66: {  	v3 =	vld [tilespmem:s25+$0x200]  }
0x67: {  	v0 =	vadd.f32 v1, v0  }
0x68: {  	v1 =	vld [tilespmem:s25+$0x240]  }
0x69: {  	v0 =	vadd.f32 v2, v0;
	_ =	sdelay $0x1  }
0x6a: {  	v0 =	vadd.f32 v3, v0;
	_ =	sdelay $0x1  }
0x6b: {  	v0 =	vadd.f32 v1, v0  }
0x6c: {  	s29 =	simm.s32 $0x0  }
0x6d: {  	[tilespmem:s29+$0x14A00] =	vst v0  }
0x6e: {  	v0 =	vld [tilespmem:s25+$0xFFFFFD90]  }
0x6f: {  	v1 =	vld [tilespmem:s25+$0xFFFFFDD0];
	_ =	sdelay $0x1  }
0x70: {  	v2 =	vld [tilespmem:s25+$0xFFFFFE10];
	_ =	sdelay $0x1  }
0x71: {  	v3 =	vld [tilespmem:s25+$0xFFFFFE50]  }
0x72: {  	v0 =	vadd.f32 v1, v0  }
0x73: {  	v1 =	vld [tilespmem:s25+$0xFFFFFE90]  }
0x74: {  	v0 =	vadd.f32 v2, v0  }
0x75: {  	v2 =	vld [tilespmem:s25+$0xFFFFFED0]  }
0x76: {  	v0 =	vadd.f32 v3, v0  }
0x77: {  	v3 =	vld [tilespmem:s25+$0xFFFFFF10]  }
0x78: {  	v0 =	vadd.f32 v1, v0  }
0x79: {  	v1 =	vld [tilespmem:s25+$0xFFFFFF50]  }
0x7a: {  	v0 =	vadd.f32 v2, v0  }
0x7b: {  	v2 =	vld [tilespmem:s25+$0xFFFFFF90]  }
0x7c: {  	v0 =	vadd.f32 v3, v0  }
0x7d: {  	v3 =	vld [tilespmem:s25+$0xFFFFFFD0]  }
0x7e: {  	v0 =	vadd.f32 v1, v0  }
0x7f: {  	v1 =	vld [tilespmem:s25+$0x10]  }
0x80: {  	v0 =	vadd.f32 v2, v0  }
0x81: {  	v2 =	vld [tilespmem:s25+$0x50]  }
0x82: {  	v0 =	vadd.f32 v3, v0  }
0x83: {  	v3 =	vld [tilespmem:s25+$0x90]  }
0x84: {  	v0 =	vadd.f32 v1, v0  }
0x85: {  	v1 =	vld [tilespmem:s25+$0xD0]  }
0x86: {  	v0 =	vadd.f32 v2, v0  }
0x87: {  	v2 =	vld [tilespmem:s25+$0x110]  }
0x88: {  	v0 =	vadd.f32 v3, v0  }
0x89: {  	v3 =	vld [tilespmem:s25+$0x150]  }
0x8a: {  	v0 =	vadd.f32 v1, v0  }
0x8b: {  	v1 =	vld [tilespmem:s25+$0x190]  }
0x8c: {  	v0 =	vadd.f32 v2, v0  }
0x8d: {  	v2 =	vld [tilespmem:s25+$0x1D0]  }
0x8e: {  	v0 =	vadd.f32 v3, v0  }
0x8f: {  	v3 =	vld [tilespmem:s25+$0x210]  }
0x90: {  	v0 =	vadd.f32 v1, v0  }
0x91: {  	v1 =	vld [tilespmem:s25+$0x250]  }
0x92: {  	v0 =	vadd.f32 v2, v0;
	_ =	sdelay $0x1  }
0x93: {  	v0 =	vadd.f32 v3, v0;
	_ =	sdelay $0x1  }
0x94: {  	v0 =	vadd.f32 v1, v0;
	_ =	sdelay $0x1  }
0x95: {  	[tilespmem:s29+$0x14A10] =	vst v0  }
0x96: {  	v0 =	vld [tilespmem:s25+$0xFFFFFDA0]  }
0x97: {  	v1 =	vld [tilespmem:s25+$0xFFFFFDE0];
	_ =	sdelay $0x1  }
0x98: {  	v2 =	vld [tilespmem:s25+$0xFFFFFE20];
	_ =	sdelay $0x1  }
0x99: {  	v3 =	vld [tilespmem:s25+$0xFFFFFE60]  }
0x9a: {  	v0 =	vadd.f32 v1, v0  }
0x9b: {  	v1 =	vld [tilespmem:s25+$0xFFFFFEA0]  }
0x9c: {  	v0 =	vadd.f32 v2, v0  }
0x9d: {  	v2 =	vld [tilespmem:s25+$0xFFFFFEE0]  }
0x9e: {  	v0 =	vadd.f32 v3, v0  }
0x9f: {  	v3 =	vld [tilespmem:s25+$0xFFFFFF20]  }
0xa0: {  	v0 =	vadd.f32 v1, v0  }
0xa1: {  	v1 =	vld [tilespmem:s25+$0xFFFFFF60]  }
0xa2: {  	v0 =	vadd.f32 v2, v0  }
0xa3: {  	v2 =	vld [tilespmem:s25+$0xFFFFFFA0]  }
0xa4: {  	v0 =	vadd.f32 v3, v0  }
0xa5: {  	v3 =	vld [tilespmem:s25+$0xFFFFFFE0]  }
0xa6: {  	v0 =	vadd.f32 v1, v0  }
0xa7: {  	v1 =	vld [tilespmem:s25+$0x20]  }
0xa8: {  	v0 =	vadd.f32 v2, v0  }
0xa9: {  	v2 =	vld [tilespmem:s25+$0x60]  }
0xaa: {  	v0 =	vadd.f32 v3, v0  }
0xab: {  	v3 =	vld [tilespmem:s25+$0xA0]  }
0xac: {  	v0 =	vadd.f32 v1, v0  }
0xad: {  	v1 =	vld [tilespmem:s25+$0xE0]  }
0xae: {  	v0 =	vadd.f32 v2, v0  }
0xaf: {  	v2 =	vld [tilespmem:s25+$0x120]  }
0xb0: {  	v0 =	vadd.f32 v3, v0  }
0xb1: {  	v3 =	vld [tilespmem:s25+$0x160]  }
0xb2: {  	v0 =	vadd.f32 v1, v0  }
0xb3: {  	v1 =	vld [tilespmem:s25+$0x1A0]  }
0xb4: {  	v0 =	vadd.f32 v2, v0  }
0xb5: {  	v2 =	vld [tilespmem:s25+$0x1E0]  }
0xb6: {  	v0 =	vadd.f32 v3, v0  }
0xb7: {  	v3 =	vld [tilespmem:s25+$0x220]  }
0xb8: {  	v0 =	vadd.f32 v1, v0  }
0xb9: {  	v1 =	vld [tilespmem:s25+$0x260]  }
0xba: {  	v0 =	vadd.f32 v2, v0;
	_ =	sdelay $0x1  }
0xbb: {  	v0 =	vadd.f32 v3, v0;
	_ =	sdelay $0x1  }
0xbc: {  	v0 =	vadd.f32 v1, v0;
	_ =	sdelay $0x1  }
0xbd: {  	[tilespmem:s29+$0x14A20] =	vst v0  }
0xbe: {  	v0 =	vld [tilespmem:s25+$0xFFFFFDB0]  }
0xbf: {  	v1 =	vld [tilespmem:s25+$0xFFFFFDF0];
	_ =	sdelay $0x1  }
0xc0: {  	v2 =	vld [tilespmem:s25+$0xFFFFFE30];
	_ =	sdelay $0x1  }
0xc1: {  	v3 =	vld [tilespmem:s25+$0xFFFFFE70]  }
0xc2: {  	v0 =	vadd.f32 v1, v0  }
0xc3: {  	v1 =	vld [tilespmem:s25+$0xFFFFFEB0]  }
0xc4: {  	v0 =	vadd.f32 v2, v0  }
0xc5: {  	v2 =	vld [tilespmem:s25+$0xFFFFFEF0]  }
0xc6: {  	v0 =	vadd.f32 v3, v0  }
0xc7: {  	v3 =	vld [tilespmem:s25+$0xFFFFFF30]  }
0xc8: {  	v0 =	vadd.f32 v1, v0  }
0xc9: {  	v1 =	vld [tilespmem:s25+$0xFFFFFF70]  }
0xca: {  	v0 =	vadd.f32 v2, v0  }
0xcb: {  	v2 =	vld [tilespmem:s25+$0xFFFFFFB0]  }
0xcc: {  	v0 =	vadd.f32 v3, v0  }
0xcd: {  	v3 =	vld [tilespmem:s25+$0xFFFFFFF0]  }
0xce: {  	v0 =	vadd.f32 v1, v0  }
0xcf: {  	v1 =	vld [tilespmem:s25+$0x30]  }
0xd0: {  	v0 =	vadd.f32 v2, v0  }
0xd1: {  	v2 =	vld [tilespmem:s25+$0x70]  }
0xd2: {  	v0 =	vadd.f32 v3, v0  }
0xd3: {  	v3 =	vld [tilespmem:s25+$0xB0]  }
0xd4: {  	v0 =	vadd.f32 v1, v0  }
0xd5: {  	v1 =	vld [tilespmem:s25+$0xF0]  }
0xd6: {  	v0 =	vadd.f32 v2, v0  }
0xd7: {  	v2 =	vld [tilespmem:s25+$0x130]  }
0xd8: {  	v0 =	vadd.f32 v3, v0  }
0xd9: {  	v3 =	vld [tilespmem:s25+$0x170]  }
0xda: {  	v0 =	vadd.f32 v1, v0  }
0xdb: {  	v1 =	vld [tilespmem:s25+$0x1B0]  }
0xdc: {  	v0 =	vadd.f32 v2, v0;
	_ =	sdelay $0x1  }
0xdd: {  	v2 =	vld [tilespmem:s25+$0x1F0];
	v0 =	vadd.f32 v3, v0;
	_ =	sdelay $0x1  }
0xde: {  	v3 =	vadd.f32 v1, v0;
	v1 =	vld [tilespmem:s25+$0x230];
	_ =	sdelay $0x1  }
0xdf: {  	v0 =	vld [tilespmem:s25+$0x270]  }
0xe0: {  	s30 =	simm.s32 $0x100;
	v2 =	vadd.f32 v2, v3  }
.LBB2_2:
0xe1: {  	p0 =	sne.s32 s30, $0x3F00  }
0xe2: {  	s25 =	sadd.s32 $0x500, s25;
	s31 =	smov.u32 s30;
	s30 =	sadd.s32 $0x100, s30;
	v1 =	vadd.f32 v1, v2  }
0xe3: {  	_ = 	snop  }
0xe4: {  	v0 =	vadd.f32 v0, v1;
	_ =	sdelay $0x1  }
0xe5: {  	[tilespmem:s29+$0x14A30] =	vst v0  }
0xe6: {  	v0 =	vld [tilespmem:s25+$0xFFFFFDC0]  }
0xe7: {  	v1 =	vld [tilespmem:s25+$0xFFFFFD80];
	_ =	sdelay $0x1  }
0xe8: {  	v2 =	vld [tilespmem:s25+$0xFFFFFE00];
	_ =	sdelay $0x1  }
0xe9: {  	v3 =	vld [tilespmem:s25+$0xFFFFFE40]  }
0xea: {  	v0 =	vadd.f32 v0, v1  }
0xeb: {  	v1 =	vld [tilespmem:s25+$0xFFFFFE80]  }
0xec: {  	v0 =	vadd.f32 v2, v0  }
0xed: {  	v2 =	vld [tilespmem:s25+$0xFFFFFEC0]  }
0xee: {  	v0 =	vadd.f32 v3, v0  }
0xef: {  	v3 =	vld [tilespmem:s25+$0xFFFFFF00]  }
0xf0: {  	v0 =	vadd.f32 v1, v0  }
0xf1: {  	v1 =	vld [tilespmem:s25+$0xFFFFFF40]  }
0xf2: {  	v0 =	vadd.f32 v2, v0  }
0xf3: {  	v2 =	vld [tilespmem:s25+$0xFFFFFF80]  }
0xf4: {  	v0 =	vadd.f32 v3, v0  }
0xf5: {  	v3 =	vld [tilespmem:s25+$0xFFFFFFC0]  }
0xf6: {  	v0 =	vadd.f32 v1, v0  }
0xf7: {  	v1 =	vld [tilespmem:s25+$0x0]  }
0xf8: {  	v0 =	vadd.f32 v2, v0  }
0xf9: {  	v2 =	vld [tilespmem:s25+$0x40]  }
0xfa: {  	v0 =	vadd.f32 v3, v0  }
0xfb: {  	v3 =	vld [tilespmem:s25+$0x80]  }
0xfc: {  	v0 =	vadd.f32 v1, v0  }
0xfd: {  	v1 =	vld [tilespmem:s25+$0xC0]  }
0xfe: {  	v0 =	vadd.f32 v2, v0  }
0xff: {  	v2 =	vld [tilespmem:s25+$0x100]  }
0x100: {  	v0 =	vadd.f32 v3, v0  }
0x101: {  	v3 =	vld [tilespmem:s25+$0x140]  }
0x102: {  	v0 =	vadd.f32 v1, v0  }
0x103: {  	v1 =	vld [tilespmem:s25+$0x180]  }
0x104: {  	v0 =	vadd.f32 v2, v0  }
0x105: {  	v2 =	vld [tilespmem:s25+$0x1C0]  }
0x106: {  	v0 =	vadd.f32 v3, v0  }
0x107: {  	v3 =	vld [tilespmem:s25+$0x200]  }
0x108: {  	v0 =	vadd.f32 v1, v0  }
0x109: {  	v1 =	vld [tilespmem:s25+$0x240]  }
0x10a: {  	v0 =	vadd.f32 v2, v0;
	_ =	sdelay $0x1  }
0x10b: {  	v0 =	vadd.f32 v3, v0;
	_ =	sdelay $0x1  }
0x10c: {  	v0 =	vadd.f32 v1, v0  }
0x10d: {  	s29 =	sshra.s32 s31, $0x2  }
0x10e: {  	[tilespmem:s29+$0x14A00] =	vst v0  }
0x10f: {  	v0 =	vld [tilespmem:s25+$0xFFFFFD90]  }
0x110: {  	v1 =	vld [tilespmem:s25+$0xFFFFFDD0];
	_ =	sdelay $0x1  }
0x111: {  	v2 =	vld [tilespmem:s25+$0xFFFFFE10];
	_ =	sdelay $0x1  }
0x112: {  	v3 =	vld [tilespmem:s25+$0xFFFFFE50]  }
0x113: {  	v0 =	vadd.f32 v1, v0  }
0x114: {  	v1 =	vld [tilespmem:s25+$0xFFFFFE90]  }
0x115: {  	v0 =	vadd.f32 v2, v0  }
0x116: {  	v2 =	vld [tilespmem:s25+$0xFFFFFED0]  }
0x117: {  	v0 =	vadd.f32 v3, v0  }
0x118: {  	v3 =	vld [tilespmem:s25+$0xFFFFFF10]  }
0x119: {  	v0 =	vadd.f32 v1, v0  }
0x11a: {  	v1 =	vld [tilespmem:s25+$0xFFFFFF50]  }
0x11b: {  	v0 =	vadd.f32 v2, v0  }
0x11c: {  	v2 =	vld [tilespmem:s25+$0xFFFFFF90]  }
0x11d: {  	v0 =	vadd.f32 v3, v0  }
0x11e: {  	v3 =	vld [tilespmem:s25+$0xFFFFFFD0]  }
0x11f: {  	v0 =	vadd.f32 v1, v0  }
0x120: {  	v1 =	vld [tilespmem:s25+$0x10]  }
0x121: {  	v0 =	vadd.f32 v2, v0  }
0x122: {  	v2 =	vld [tilespmem:s25+$0x50]  }
0x123: {  	v0 =	vadd.f32 v3, v0  }
0x124: {  	v3 =	vld [tilespmem:s25+$0x90]  }
0x125: {  	v0 =	vadd.f32 v1, v0  }
0x126: {  	v1 =	vld [tilespmem:s25+$0xD0]  }
0x127: {  	v0 =	vadd.f32 v2, v0  }
0x128: {  	v2 =	vld [tilespmem:s25+$0x110]  }
0x129: {  	v0 =	vadd.f32 v3, v0  }
0x12a: {  	v3 =	vld [tilespmem:s25+$0x150]  }
0x12b: {  	v0 =	vadd.f32 v1, v0  }
0x12c: {  	v1 =	vld [tilespmem:s25+$0x190]  }
0x12d: {  	v0 =	vadd.f32 v2, v0  }
0x12e: {  	v2 =	vld [tilespmem:s25+$0x1D0]  }
0x12f: {  	v0 =	vadd.f32 v3, v0  }
0x130: {  	v3 =	vld [tilespmem:s25+$0x210]  }
0x131: {  	v0 =	vadd.f32 v1, v0  }
0x132: {  	v1 =	vld [tilespmem:s25+$0x250]  }
0x133: {  	v0 =	vadd.f32 v2, v0;
	_ =	sdelay $0x1  }
0x134: {  	v0 =	vadd.f32 v3, v0;
	_ =	sdelay $0x1  }
0x135: {  	v0 =	vadd.f32 v1, v0;
	_ =	sdelay $0x1  }
0x136: {  	[tilespmem:s29+$0x14A10] =	vst v0  }
0x137: {  	v0 =	vld [tilespmem:s25+$0xFFFFFDA0]  }
0x138: {  	v1 =	vld [tilespmem:s25+$0xFFFFFDE0];
	_ =	sdelay $0x1  }
0x139: {  	v2 =	vld [tilespmem:s25+$0xFFFFFE20];
	_ =	sdelay $0x1  }
0x13a: {  	v3 =	vld [tilespmem:s25+$0xFFFFFE60]  }
0x13b: {  	v0 =	vadd.f32 v1, v0  }
0x13c: {  	v1 =	vld [tilespmem:s25+$0xFFFFFEA0]  }
0x13d: {  	v0 =	vadd.f32 v2, v0  }
0x13e: {  	v2 =	vld [tilespmem:s25+$0xFFFFFEE0]  }
0x13f: {  	v0 =	vadd.f32 v3, v0  }
0x140: {  	v3 =	vld [tilespmem:s25+$0xFFFFFF20]  }
0x141: {  	v0 =	vadd.f32 v1, v0  }
0x142: {  	v1 =	vld [tilespmem:s25+$0xFFFFFF60]  }
0x143: {  	v0 =	vadd.f32 v2, v0  }
0x144: {  	v2 =	vld [tilespmem:s25+$0xFFFFFFA0]  }
0x145: {  	v0 =	vadd.f32 v3, v0  }
0x146: {  	v3 =	vld [tilespmem:s25+$0xFFFFFFE0]  }
0x147: {  	v0 =	vadd.f32 v1, v0  }
0x148: {  	v1 =	vld [tilespmem:s25+$0x20]  }
0x149: {  	v0 =	vadd.f32 v2, v0  }
0x14a: {  	v2 =	vld [tilespmem:s25+$0x60]  }
0x14b: {  	v0 =	vadd.f32 v3, v0  }
0x14c: {  	v3 =	vld [tilespmem:s25+$0xA0]  }
0x14d: {  	v0 =	vadd.f32 v1, v0  }
0x14e: {  	v1 =	vld [tilespmem:s25+$0xE0]  }
0x14f: {  	v0 =	vadd.f32 v2, v0  }
0x150: {  	v2 =	vld [tilespmem:s25+$0x120]  }
0x151: {  	v0 =	vadd.f32 v3, v0  }
0x152: {  	v3 =	vld [tilespmem:s25+$0x160]  }
0x153: {  	v0 =	vadd.f32 v1, v0  }
0x154: {  	v1 =	vld [tilespmem:s25+$0x1A0]  }
0x155: {  	v0 =	vadd.f32 v2, v0  }
0x156: {  	v2 =	vld [tilespmem:s25+$0x1E0]  }
0x157: {  	v0 =	vadd.f32 v3, v0  }
0x158: {  	v3 =	vld [tilespmem:s25+$0x220]  }
0x159: {  	v0 =	vadd.f32 v1, v0  }
0x15a: {  	v1 =	vld [tilespmem:s25+$0x260]  }
0x15b: {  	v0 =	vadd.f32 v2, v0;
	_ =	sdelay $0x1  }
0x15c: {  	v0 =	vadd.f32 v3, v0;
	_ =	sdelay $0x1  }
0x15d: {  	v0 =	vadd.f32 v1, v0;
	_ =	sdelay $0x1  }
0x15e: {  	[tilespmem:s29+$0x14A20] =	vst v0  }
0x15f: {  	v0 =	vld [tilespmem:s25+$0xFFFFFDB0]  }
0x160: {  	v1 =	vld [tilespmem:s25+$0xFFFFFDF0]  }
0x161: {  	v2 =	vld [tilespmem:s25+$0xFFFFFE30]  }
0x162: {  	v3 =	vld [tilespmem:s25+$0xFFFFFE70]  }
0x163: {  	v4 =	vld [tilespmem:s25+$0xFFFFFEB0]  }
0x164: {  	v5 =	vld [tilespmem:s25+$0xFFFFFEF0]  }
0x165: {  	v0 =	vadd.f32 v1, v0;
	v1 =	vld [tilespmem:s25+$0xFFFFFF30]  }
0x166: {  	v6 =	vld [tilespmem:s25+$0xFFFFFF70]  }
0x167: {  	v0 =	vadd.f32 v2, v0;
	v2 =	vld [tilespmem:s25+$0xFFFFFFB0]  }
0x168: {  	v7 =	vld [tilespmem:s25+$0xFFFFFFF0]  }
0x169: {  	v0 =	vadd.f32 v3, v0;
	v3 =	vld [tilespmem:s25+$0x30]  }
0x16a: {  	v8 =	vld [tilespmem:s25+$0x70]  }
0x16b: {  	v0 =	vadd.f32 v4, v0;
	v4 =	vld [tilespmem:s25+$0xB0]  }
0x16c: {  	v9 =	vld [tilespmem:s25+$0xF0]  }
0x16d: {  	v0 =	vadd.f32 v5, v0;
	v5 =	vld [tilespmem:s25+$0x130]  }
0x16e: {  	v10 =	vld [tilespmem:s25+$0x170]  }
0x16f: {  	v0 =	vadd.f32 v1, v0;
	v11 =	vld [tilespmem:s25+$0x1B0]  }
0x170: {  	v12 =	vld [tilespmem:s25+$0x1F0]  }
0x171: {  	v6 =	vadd.f32 v6, v0;
	v1 =	vld [tilespmem:s25+$0x230]  }
0x172: {  	v0 =	vld [tilespmem:s25+$0x270]  }
0x173: {  	v2 =	vadd.f32 v2, v6;
	_ =	sdelay $0x1  }
0x174: {  	v2 =	vadd.f32 v7, v2;
	_ =	sdelay $0x1  }
0x175: {  	v2 =	vadd.f32 v3, v2;
	_ =	sdelay $0x1  }
0x176: {  	v2 =	vadd.f32 v8, v2;
	_ =	sdelay $0x1  }
0x177: {  	v2 =	vadd.f32 v4, v2;
	_ =	sdelay $0x1  }
0x178: {  	v2 =	vadd.f32 v9, v2;
	_ =	sdelay $0x1  }
0x179: {  	v2 =	vadd.f32 v5, v2;
	_ =	sdelay $0x1  }
.Ltmp0:
0x17a: {  	v2 =	vadd.f32 v10, v2;
	(pc) =	sbr.rel @p0 .LBB2_2-.Ltmp0, $3  }
0x17b: {  	_ = 	snop  }
0x17c: {  	v2 =	vadd.f32 v11, v2;
	_ =	sdelay $0x1  }
0x17d: {  	v2 =	vadd.f32 v12, v2  }
0x17e: {  	_ = 	snop  }
0x17f: {  	v1 =	vadd.f32 v1, v2;
	_ =	sdelay $0x1  }
0x180: {  	v0 =	vadd.f32 v0, v1;
	_ =	sdelay $0x1  }
0x181: {  	s25 =	simm.s32 $0x500;
	[tilespmem:s29+$0x14A30] =	vst v0  }
0x182: {  	[tilespmem:s9], [sflag:$0x1] =	stream.indirect.gather [hbm4b:s3+s8], $0x40, s25, s8, $0xb8;
	[tilespmem:$0x16A00] =	vst v63  }
0x183: {  	s31 =	simm.s32 $0x580  }
0x184: {  	[tilespmem:s10], [sflag:$0x1] =	stream.indirect.gather [hbm4b:s3+s8], $0x40, s31, s8, $0xb8;
	[tilespmem:$0x16A00] =	vst v63  }
0x185: {  	s31 =	simm.s32 $0x600  }
0x186: {  	[tilespmem:s12], [sflag:$0x1] =	stream.indirect.gather [hbm4b:s3+s8], $0x40, s31, s8, $0xb8;
	[tilespmem:$0x16A00] =	vst v63  }
0x187: {  	_ = 	snop  }
0x188: {  	[tilespmem:s14], [sflag:$0x1] =	stream.indirect.gather [hbm4b:s3+s8], $0x40, s1, s8, $0xb8;
	[tilespmem:$0x16A00] =	vst v63  }
0x189: {  	_ = 	snop  }
0x18a: {  	[tilespmem:s16], [sflag:$0x1] =	stream.indirect.gather [hbm4b:s3+s8], $0x40, s0, s8, $0xb8;
	[tilespmem:$0x16A00] =	vst v63  }
0x18b: {  	_ = 	snop  }
0x18c: {  	[tilespmem:s18], [sflag:$0x1] =	stream.indirect.gather [hbm4b:s3+s8], $0x40, s11, s8, $0xb8;
	[tilespmem:$0x16A00] =	vst v63  }
0x18d: {  	_ = 	snop  }
0x18e: {  	[tilespmem:s20], [sflag:$0x1] =	stream.indirect.gather [hbm4b:s3+s8], $0x40, s13, s8, $0xb8;
	[tilespmem:$0x16A00] =	vst v63  }
0x18f: {  	_ = 	snop  }
0x190: {  	[tilespmem:s22], [sflag:$0x1] =	stream.indirect.gather [hbm4b:s3+s8], $0x40, s15, s8, $0xb8;
	[tilespmem:$0x16A00] =	vst v63  }
0x191: {  	_ = 	snop  }
0x192: {  	[tilespmem:s24], [sflag:$0x1] =	stream.indirect.gather [hbm4b:s3+s8], $0x40, s17, s8, $0xb8;
	[tilespmem:$0x16A00] =	vst v63  }
0x193: {  	_ = 	snop  }
0x194: {  	[tilespmem:s26], [sflag:$0x1] =	stream.indirect.gather [hbm4b:s3+s8], $0x40, s19, s8, $0xb8;
	[tilespmem:$0x16A00] =	vst v63  }
0x195: {  	_ =	swait.ge [sflag:s28], $0x2000  }
0x196: {  	[sflag:s28] =	ssyncset.done $0x0  }
0x197: {  	[sflag:s28] =	ssyncadd.s32 $0xFFFFE000  }
0x198: {  	_ =	swait.ge [sflag:s28], $0x2000  }
0x199: {  	[sflag:s28] =	ssyncset.done $0x0  }
0x19a: {  	[sflag:s28] =	ssyncadd.s32 $0xFFFFE000  }
0x19b: {  	_ =	swait.ge [sflag:s28], $0x2000  }
0x19c: {  	[sflag:s28] =	ssyncset.done $0x0  }
0x19d: {  	[sflag:s28] =	ssyncadd.s32 $0xFFFFE000  }
0x19e: {  	_ =	swait.ge [sflag:s28], $0x2000  }
0x19f: {  	[sflag:s28] =	ssyncset.done $0x0  }
0x1a0: {  	[sflag:s28] =	ssyncadd.s32 $0xFFFFE000  }
0x1a1: {  	_ =	swait.ge [sflag:s28], $0x2000  }
0x1a2: {  	[sflag:s28] =	ssyncset.done $0x0  }
0x1a3: {  	[sflag:s28] =	ssyncadd.s32 $0xFFFFE000  }
0x1a4: {  	_ =	swait.ge [sflag:s28], $0x2000  }
0x1a5: {  	[sflag:s28] =	ssyncset.done $0x0  }
0x1a6: {  	[sflag:s28] =	ssyncadd.s32 $0xFFFFE000  }
0x1a7: {  	_ =	swait.ge [sflag:s28], $0x2000  }
0x1a8: {  	[sflag:s28] =	ssyncset.done $0x0  }
0x1a9: {  	[sflag:s28] =	ssyncadd.s32 $0xFFFFE000  }
0x1aa: {  	_ =	swait.ge [sflag:s28], $0x2000  }
0x1ab: {  	[sflag:s28] =	ssyncset.done $0x0  }
0x1ac: {  	[sflag:s28] =	ssyncadd.s32 $0xFFFFE000  }
0x1ad: {  	_ =	swait.ge [sflag:s28], $0x2000  }
0x1ae: {  	[sflag:s28] =	ssyncset.done $0x0  }
0x1af: {  	[sflag:s28] =	ssyncadd.s32 $0xFFFFE000  }
0x1b0: {  	_ =	swait.ge [sflag:s28], $0x2000  }
0x1b1: {  	[sflag:s28] =	ssyncset.done $0x0  }
0x1b2: {  	s25 =	simm.s32 $0xC80;
	[sflag:s28] =	ssyncadd.s32 $0xFFFFE000  }
0x1b3: {  	v0 =	vld [tilespmem:s25+$0xFFFFFDC0]  }
0x1b4: {  	v1 =	vld [tilespmem:s25+$0xFFFFFD80];
	_ =	sdelay $0x1  }
0x1b5: {  	v2 =	vld [tilespmem:s25+$0xFFFFFE00];
	_ =	sdelay $0x1  }
0x1b6: {  	v3 =	vld [tilespmem:s25+$0xFFFFFE40]  }
0x1b7: {  	v0 =	vadd.f32 v0, v1  }
0x1b8: {  	v1 =	vld [tilespmem:s25+$0xFFFFFE80]  }
0x1b9: {  	v0 =	vadd.f32 v2, v0  }
0x1ba: {  	v2 =	vld [tilespmem:s25+$0xFFFFFEC0]  }
0x1bb: {  	v0 =	vadd.f32 v3, v0  }
0x1bc: {  	v3 =	vld [tilespmem:s25+$0xFFFFFF00]  }
0x1bd: {  	v0 =	vadd.f32 v1, v0  }
0x1be: {  	v1 =	vld [tilespmem:s25+$0xFFFFFF40]  }
0x1bf: {  	v0 =	vadd.f32 v2, v0  }
0x1c0: {  	v2 =	vld [tilespmem:s25+$0xFFFFFF80]  }
0x1c1: {  	v0 =	vadd.f32 v3, v0  }
0x1c2: {  	v3 =	vld [tilespmem:s25+$0xFFFFFFC0]  }
0x1c3: {  	v0 =	vadd.f32 v1, v0  }
0x1c4: {  	v1 =	vld [tilespmem:s25+$0x0]  }
0x1c5: {  	v0 =	vadd.f32 v2, v0  }
0x1c6: {  	v2 =	vld [tilespmem:s25+$0x40]  }
0x1c7: {  	v0 =	vadd.f32 v3, v0  }
0x1c8: {  	v3 =	vld [tilespmem:s25+$0x80]  }
0x1c9: {  	v0 =	vadd.f32 v1, v0  }
0x1ca: {  	v1 =	vld [tilespmem:s25+$0xC0]  }
0x1cb: {  	v0 =	vadd.f32 v2, v0  }
0x1cc: {  	v2 =	vld [tilespmem:s25+$0x100]  }
0x1cd: {  	v0 =	vadd.f32 v3, v0  }
0x1ce: {  	v3 =	vld [tilespmem:s25+$0x140]  }
0x1cf: {  	v0 =	vadd.f32 v1, v0  }
0x1d0: {  	v1 =	vld [tilespmem:s25+$0x180]  }
0x1d1: {  	v0 =	vadd.f32 v2, v0  }
0x1d2: {  	v2 =	vld [tilespmem:s25+$0x1C0]  }
0x1d3: {  	v0 =	vadd.f32 v3, v0  }
0x1d4: {  	v3 =	vld [tilespmem:s25+$0x200]  }
0x1d5: {  	v0 =	vadd.f32 v1, v0  }
0x1d6: {  	v1 =	vld [tilespmem:s25+$0x240]  }
0x1d7: {  	v0 =	vadd.f32 v2, v0;
	_ =	sdelay $0x1  }
0x1d8: {  	v0 =	vadd.f32 v3, v0;
	_ =	sdelay $0x1  }
0x1d9: {  	v0 =	vadd.f32 v1, v0  }
0x1da: {  	s29 =	simm.s32 $0x0  }
0x1db: {  	[tilespmem:s29+$0x15A00] =	vst v0  }
0x1dc: {  	v0 =	vld [tilespmem:s25+$0xFFFFFD90]  }
0x1dd: {  	v1 =	vld [tilespmem:s25+$0xFFFFFDD0];
	_ =	sdelay $0x1  }
0x1de: {  	v2 =	vld [tilespmem:s25+$0xFFFFFE10];
	_ =	sdelay $0x1  }
0x1df: {  	v3 =	vld [tilespmem:s25+$0xFFFFFE50]  }
0x1e0: {  	v0 =	vadd.f32 v1, v0  }
0x1e1: {  	v1 =	vld [tilespmem:s25+$0xFFFFFE90]  }
0x1e2: {  	v0 =	vadd.f32 v2, v0  }
0x1e3: {  	v2 =	vld [tilespmem:s25+$0xFFFFFED0]  }
0x1e4: {  	v0 =	vadd.f32 v3, v0  }
0x1e5: {  	v3 =	vld [tilespmem:s25+$0xFFFFFF10]  }
0x1e6: {  	v0 =	vadd.f32 v1, v0  }
0x1e7: {  	v1 =	vld [tilespmem:s25+$0xFFFFFF50]  }
0x1e8: {  	v0 =	vadd.f32 v2, v0  }
0x1e9: {  	v2 =	vld [tilespmem:s25+$0xFFFFFF90]  }
0x1ea: {  	v0 =	vadd.f32 v3, v0  }
0x1eb: {  	v3 =	vld [tilespmem:s25+$0xFFFFFFD0]  }
0x1ec: {  	v0 =	vadd.f32 v1, v0  }
0x1ed: {  	v1 =	vld [tilespmem:s25+$0x10]  }
0x1ee: {  	v0 =	vadd.f32 v2, v0  }
0x1ef: {  	v2 =	vld [tilespmem:s25+$0x50]  }
0x1f0: {  	v0 =	vadd.f32 v3, v0  }
0x1f1: {  	v3 =	vld [tilespmem:s25+$0x90]  }
0x1f2: {  	v0 =	vadd.f32 v1, v0  }
0x1f3: {  	v1 =	vld [tilespmem:s25+$0xD0]  }
0x1f4: {  	v0 =	vadd.f32 v2, v0  }
0x1f5: {  	v2 =	vld [tilespmem:s25+$0x110]  }
0x1f6: {  	v0 =	vadd.f32 v3, v0  }
0x1f7: {  	v3 =	vld [tilespmem:s25+$0x150]  }
0x1f8: {  	v0 =	vadd.f32 v1, v0  }
0x1f9: {  	v1 =	vld [tilespmem:s25+$0x190]  }
0x1fa: {  	v0 =	vadd.f32 v2, v0  }
0x1fb: {  	v2 =	vld [tilespmem:s25+$0x1D0]  }
0x1fc: {  	v0 =	vadd.f32 v3, v0  }
0x1fd: {  	v3 =	vld [tilespmem:s25+$0x210]  }
0x1fe: {  	v0 =	vadd.f32 v1, v0  }
0x1ff: {  	v1 =	vld [tilespmem:s25+$0x250]  }
0x200: {  	v0 =	vadd.f32 v2, v0;
	_ =	sdelay $0x1  }
0x201: {  	v0 =	vadd.f32 v3, v0;
	_ =	sdelay $0x1  }
0x202: {  	v0 =	vadd.f32 v1, v0;
	_ =	sdelay $0x1  }
0x203: {  	[tilespmem:s29+$0x15A10] =	vst v0  }
0x204: {  	v0 =	vld [tilespmem:s25+$0xFFFFFDA0]  }
0x205: {  	v1 =	vld [tilespmem:s25+$0xFFFFFDE0];
	_ =	sdelay $0x1  }
0x206: {  	v2 =	vld [tilespmem:s25+$0xFFFFFE20];
	_ =	sdelay $0x1  }
0x207: {  	v3 =	vld [tilespmem:s25+$0xFFFFFE60]  }
0x208: {  	v0 =	vadd.f32 v1, v0  }
0x209: {  	v1 =	vld [tilespmem:s25+$0xFFFFFEA0]  }
0x20a: {  	v0 =	vadd.f32 v2, v0  }
0x20b: {  	v2 =	vld [tilespmem:s25+$0xFFFFFEE0]  }
0x20c: {  	v0 =	vadd.f32 v3, v0  }
0x20d: {  	v3 =	vld [tilespmem:s25+$0xFFFFFF20]  }
0x20e: {  	v0 =	vadd.f32 v1, v0  }
0x20f: {  	v1 =	vld [tilespmem:s25+$0xFFFFFF60]  }
0x210: {  	v0 =	vadd.f32 v2, v0  }
0x211: {  	v2 =	vld [tilespmem:s25+$0xFFFFFFA0]  }
0x212: {  	v0 =	vadd.f32 v3, v0  }
0x213: {  	v3 =	vld [tilespmem:s25+$0xFFFFFFE0]  }
0x214: {  	v0 =	vadd.f32 v1, v0  }
0x215: {  	v1 =	vld [tilespmem:s25+$0x20]  }
0x216: {  	v0 =	vadd.f32 v2, v0  }
0x217: {  	v2 =	vld [tilespmem:s25+$0x60]  }
0x218: {  	v0 =	vadd.f32 v3, v0  }
0x219: {  	v3 =	vld [tilespmem:s25+$0xA0]  }
0x21a: {  	v0 =	vadd.f32 v1, v0  }
0x21b: {  	v1 =	vld [tilespmem:s25+$0xE0]  }
0x21c: {  	v0 =	vadd.f32 v2, v0  }
0x21d: {  	v2 =	vld [tilespmem:s25+$0x120]  }
0x21e: {  	v0 =	vadd.f32 v3, v0  }
0x21f: {  	v3 =	vld [tilespmem:s25+$0x160]  }
0x220: {  	v0 =	vadd.f32 v1, v0  }
0x221: {  	v1 =	vld [tilespmem:s25+$0x1A0]  }
0x222: {  	v0 =	vadd.f32 v2, v0  }
0x223: {  	v2 =	vld [tilespmem:s25+$0x1E0]  }
0x224: {  	v0 =	vadd.f32 v3, v0  }
0x225: {  	v3 =	vld [tilespmem:s25+$0x220]  }
0x226: {  	v0 =	vadd.f32 v1, v0  }
0x227: {  	v1 =	vld [tilespmem:s25+$0x260]  }
0x228: {  	v0 =	vadd.f32 v2, v0;
	_ =	sdelay $0x1  }
0x229: {  	v0 =	vadd.f32 v3, v0;
	_ =	sdelay $0x1  }
0x22a: {  	v0 =	vadd.f32 v1, v0;
	_ =	sdelay $0x1  }
0x22b: {  	[tilespmem:s29+$0x15A20] =	vst v0  }
0x22c: {  	v0 =	vld [tilespmem:s25+$0xFFFFFDB0]  }
0x22d: {  	v1 =	vld [tilespmem:s25+$0xFFFFFDF0];
	_ =	sdelay $0x1  }
0x22e: {  	v2 =	vld [tilespmem:s25+$0xFFFFFE30];
	_ =	sdelay $0x1  }
0x22f: {  	v3 =	vld [tilespmem:s25+$0xFFFFFE70]  }
0x230: {  	v0 =	vadd.f32 v1, v0  }
0x231: {  	v1 =	vld [tilespmem:s25+$0xFFFFFEB0]  }
0x232: {  	v0 =	vadd.f32 v2, v0  }
0x233: {  	v2 =	vld [tilespmem:s25+$0xFFFFFEF0]  }
0x234: {  	v0 =	vadd.f32 v3, v0  }
0x235: {  	v3 =	vld [tilespmem:s25+$0xFFFFFF30]  }
0x236: {  	v0 =	vadd.f32 v1, v0  }
0x237: {  	v1 =	vld [tilespmem:s25+$0xFFFFFF70]  }
0x238: {  	v0 =	vadd.f32 v2, v0  }
0x239: {  	v2 =	vld [tilespmem:s25+$0xFFFFFFB0]  }
0x23a: {  	v0 =	vadd.f32 v3, v0  }
0x23b: {  	v3 =	vld [tilespmem:s25+$0xFFFFFFF0]  }
0x23c: {  	v0 =	vadd.f32 v1, v0  }
0x23d: {  	v1 =	vld [tilespmem:s25+$0x30]  }
0x23e: {  	v0 =	vadd.f32 v2, v0  }
0x23f: {  	v2 =	vld [tilespmem:s25+$0x70]  }
0x240: {  	v0 =	vadd.f32 v3, v0  }
0x241: {  	v3 =	vld [tilespmem:s25+$0xB0]  }
0x242: {  	v0 =	vadd.f32 v1, v0  }
0x243: {  	v1 =	vld [tilespmem:s25+$0xF0]  }
0x244: {  	v0 =	vadd.f32 v2, v0  }
0x245: {  	v2 =	vld [tilespmem:s25+$0x130]  }
0x246: {  	v0 =	vadd.f32 v3, v0  }
0x247: {  	v3 =	vld [tilespmem:s25+$0x170]  }
0x248: {  	v0 =	vadd.f32 v1, v0  }
0x249: {  	v1 =	vld [tilespmem:s25+$0x1B0]  }
0x24a: {  	v0 =	vadd.f32 v2, v0;
	_ =	sdelay $0x1  }
0x24b: {  	v2 =	vld [tilespmem:s25+$0x1F0];
	v0 =	vadd.f32 v3, v0;
	_ =	sdelay $0x1  }
0x24c: {  	v3 =	vadd.f32 v1, v0;
	v1 =	vld [tilespmem:s25+$0x230];
	_ =	sdelay $0x1  }
0x24d: {  	v0 =	vld [tilespmem:s25+$0x270]  }
0x24e: {  	s30 =	simm.s32 $0x100;
	v2 =	vadd.f32 v2, v3  }
.LBB2_4:
0x24f: {  	p0 =	sne.s32 s30, $0x3F00  }
0x250: {  	s25 =	sadd.s32 $0x500, s25;
	s31 =	smov.u32 s30;
	s30 =	sadd.s32 $0x100, s30;
	v1 =	vadd.f32 v1, v2  }
0x251: {  	_ = 	snop  }
0x252: {  	v0 =	vadd.f32 v0, v1;
	_ =	sdelay $0x1  }
0x253: {  	[tilespmem:s29+$0x15A30] =	vst v0  }
0x254: {  	v0 =	vld [tilespmem:s25+$0xFFFFFDC0]  }
0x255: {  	v1 =	vld [tilespmem:s25+$0xFFFFFD80];
	_ =	sdelay $0x1  }
0x256: {  	v2 =	vld [tilespmem:s25+$0xFFFFFE00];
	_ =	sdelay $0x1  }
0x257: {  	v3 =	vld [tilespmem:s25+$0xFFFFFE40]  }
0x258: {  	v0 =	vadd.f32 v0, v1  }
0x259: {  	v1 =	vld [tilespmem:s25+$0xFFFFFE80]  }
0x25a: {  	v0 =	vadd.f32 v2, v0  }
0x25b: {  	v2 =	vld [tilespmem:s25+$0xFFFFFEC0]  }
0x25c: {  	v0 =	vadd.f32 v3, v0  }
0x25d: {  	v3 =	vld [tilespmem:s25+$0xFFFFFF00]  }
0x25e: {  	v0 =	vadd.f32 v1, v0  }
0x25f: {  	v1 =	vld [tilespmem:s25+$0xFFFFFF40]  }
0x260: {  	v0 =	vadd.f32 v2, v0  }
0x261: {  	v2 =	vld [tilespmem:s25+$0xFFFFFF80]  }
0x262: {  	v0 =	vadd.f32 v3, v0  }
0x263: {  	v3 =	vld [tilespmem:s25+$0xFFFFFFC0]  }
0x264: {  	v0 =	vadd.f32 v1, v0  }
0x265: {  	v1 =	vld [tilespmem:s25+$0x0]  }
0x266: {  	v0 =	vadd.f32 v2, v0  }
0x267: {  	v2 =	vld [tilespmem:s25+$0x40]  }
0x268: {  	v0 =	vadd.f32 v3, v0  }
0x269: {  	v3 =	vld [tilespmem:s25+$0x80]  }
0x26a: {  	v0 =	vadd.f32 v1, v0  }
0x26b: {  	v1 =	vld [tilespmem:s25+$0xC0]  }
0x26c: {  	v0 =	vadd.f32 v2, v0  }
0x26d: {  	v2 =	vld [tilespmem:s25+$0x100]  }
0x26e: {  	v0 =	vadd.f32 v3, v0  }
0x26f: {  	v3 =	vld [tilespmem:s25+$0x140]  }
0x270: {  	v0 =	vadd.f32 v1, v0  }
0x271: {  	v1 =	vld [tilespmem:s25+$0x180]  }
0x272: {  	v0 =	vadd.f32 v2, v0  }
0x273: {  	v2 =	vld [tilespmem:s25+$0x1C0]  }
0x274: {  	v0 =	vadd.f32 v3, v0  }
0x275: {  	v3 =	vld [tilespmem:s25+$0x200]  }
0x276: {  	v0 =	vadd.f32 v1, v0  }
0x277: {  	v1 =	vld [tilespmem:s25+$0x240]  }
0x278: {  	v0 =	vadd.f32 v2, v0;
	_ =	sdelay $0x1  }
0x279: {  	v0 =	vadd.f32 v3, v0;
	_ =	sdelay $0x1  }
0x27a: {  	v0 =	vadd.f32 v1, v0  }
0x27b: {  	s29 =	sshra.s32 s31, $0x2  }
0x27c: {  	[tilespmem:s29+$0x15A00] =	vst v0  }
0x27d: {  	v0 =	vld [tilespmem:s25+$0xFFFFFD90]  }
0x27e: {  	v1 =	vld [tilespmem:s25+$0xFFFFFDD0];
	_ =	sdelay $0x1  }
0x27f: {  	v2 =	vld [tilespmem:s25+$0xFFFFFE10];
	_ =	sdelay $0x1  }
0x280: {  	v3 =	vld [tilespmem:s25+$0xFFFFFE50]  }
0x281: {  	v0 =	vadd.f32 v1, v0  }
0x282: {  	v1 =	vld [tilespmem:s25+$0xFFFFFE90]  }
0x283: {  	v0 =	vadd.f32 v2, v0  }
0x284: {  	v2 =	vld [tilespmem:s25+$0xFFFFFED0]  }
0x285: {  	v0 =	vadd.f32 v3, v0  }
0x286: {  	v3 =	vld [tilespmem:s25+$0xFFFFFF10]  }
0x287: {  	v0 =	vadd.f32 v1, v0  }
0x288: {  	v1 =	vld [tilespmem:s25+$0xFFFFFF50]  }
0x289: {  	v0 =	vadd.f32 v2, v0  }
0x28a: {  	v2 =	vld [tilespmem:s25+$0xFFFFFF90]  }
0x28b: {  	v0 =	vadd.f32 v3, v0  }
0x28c: {  	v3 =	vld [tilespmem:s25+$0xFFFFFFD0]  }
0x28d: {  	v0 =	vadd.f32 v1, v0  }
0x28e: {  	v1 =	vld [tilespmem:s25+$0x10]  }
0x28f: {  	v0 =	vadd.f32 v2, v0  }
0x290: {  	v2 =	vld [tilespmem:s25+$0x50]  }
0x291: {  	v0 =	vadd.f32 v3, v0  }
0x292: {  	v3 =	vld [tilespmem:s25+$0x90]  }
0x293: {  	v0 =	vadd.f32 v1, v0  }
0x294: {  	v1 =	vld [tilespmem:s25+$0xD0]  }
0x295: {  	v0 =	vadd.f32 v2, v0  }
0x296: {  	v2 =	vld [tilespmem:s25+$0x110]  }
0x297: {  	v0 =	vadd.f32 v3, v0  }
0x298: {  	v3 =	vld [tilespmem:s25+$0x150]  }
0x299: {  	v0 =	vadd.f32 v1, v0  }
0x29a: {  	v1 =	vld [tilespmem:s25+$0x190]  }
0x29b: {  	v0 =	vadd.f32 v2, v0  }
0x29c: {  	v2 =	vld [tilespmem:s25+$0x1D0]  }
0x29d: {  	v0 =	vadd.f32 v3, v0  }
0x29e: {  	v3 =	vld [tilespmem:s25+$0x210]  }
0x29f: {  	v0 =	vadd.f32 v1, v0  }
0x2a0: {  	v1 =	vld [tilespmem:s25+$0x250]  }
0x2a1: {  	v0 =	vadd.f32 v2, v0;
	_ =	sdelay $0x1  }
0x2a2: {  	v0 =	vadd.f32 v3, v0;
	_ =	sdelay $0x1  }
0x2a3: {  	v0 =	vadd.f32 v1, v0;
	_ =	sdelay $0x1  }
0x2a4: {  	[tilespmem:s29+$0x15A10] =	vst v0  }
0x2a5: {  	v0 =	vld [tilespmem:s25+$0xFFFFFDA0]  }
0x2a6: {  	v1 =	vld [tilespmem:s25+$0xFFFFFDE0];
	_ =	sdelay $0x1  }
0x2a7: {  	v2 =	vld [tilespmem:s25+$0xFFFFFE20];
	_ =	sdelay $0x1  }
0x2a8: {  	v3 =	vld [tilespmem:s25+$0xFFFFFE60]  }
0x2a9: {  	v0 =	vadd.f32 v1, v0  }
0x2aa: {  	v1 =	vld [tilespmem:s25+$0xFFFFFEA0]  }
0x2ab: {  	v0 =	vadd.f32 v2, v0  }
0x2ac: {  	v2 =	vld [tilespmem:s25+$0xFFFFFEE0]  }
0x2ad: {  	v0 =	vadd.f32 v3, v0  }
0x2ae: {  	v3 =	vld [tilespmem:s25+$0xFFFFFF20]  }
0x2af: {  	v0 =	vadd.f32 v1, v0  }
0x2b0: {  	v1 =	vld [tilespmem:s25+$0xFFFFFF60]  }
0x2b1: {  	v0 =	vadd.f32 v2, v0  }
0x2b2: {  	v2 =	vld [tilespmem:s25+$0xFFFFFFA0]  }
0x2b3: {  	v0 =	vadd.f32 v3, v0  }
0x2b4: {  	v3 =	vld [tilespmem:s25+$0xFFFFFFE0]  }
0x2b5: {  	v0 =	vadd.f32 v1, v0  }
0x2b6: {  	v1 =	vld [tilespmem:s25+$0x20]  }
0x2b7: {  	v0 =	vadd.f32 v2, v0  }
0x2b8: {  	v2 =	vld [tilespmem:s25+$0x60]  }
0x2b9: {  	v0 =	vadd.f32 v3, v0  }
0x2ba: {  	v3 =	vld [tilespmem:s25+$0xA0]  }
0x2bb: {  	v0 =	vadd.f32 v1, v0  }
0x2bc: {  	v1 =	vld [tilespmem:s25+$0xE0]  }
0x2bd: {  	v0 =	vadd.f32 v2, v0  }
0x2be: {  	v2 =	vld [tilespmem:s25+$0x120]  }
0x2bf: {  	v0 =	vadd.f32 v3, v0  }
0x2c0: {  	v3 =	vld [tilespmem:s25+$0x160]  }
0x2c1: {  	v0 =	vadd.f32 v1, v0  }
0x2c2: {  	v1 =	vld [tilespmem:s25+$0x1A0]  }
0x2c3: {  	v0 =	vadd.f32 v2, v0  }
0x2c4: {  	v2 =	vld [tilespmem:s25+$0x1E0]  }
0x2c5: {  	v0 =	vadd.f32 v3, v0  }
0x2c6: {  	v3 =	vld [tilespmem:s25+$0x220]  }
0x2c7: {  	v0 =	vadd.f32 v1, v0  }
0x2c8: {  	v1 =	vld [tilespmem:s25+$0x260]  }
0x2c9: {  	v0 =	vadd.f32 v2, v0;
	_ =	sdelay $0x1  }
0x2ca: {  	v0 =	vadd.f32 v3, v0;
	_ =	sdelay $0x1  }
0x2cb: {  	v0 =	vadd.f32 v1, v0;
	_ =	sdelay $0x1  }
0x2cc: {  	[tilespmem:s29+$0x15A20] =	vst v0  }
0x2cd: {  	v0 =	vld [tilespmem:s25+$0xFFFFFDB0]  }
0x2ce: {  	v1 =	vld [tilespmem:s25+$0xFFFFFDF0]  }
0x2cf: {  	v2 =	vld [tilespmem:s25+$0xFFFFFE30]  }
0x2d0: {  	v3 =	vld [tilespmem:s25+$0xFFFFFE70]  }
0x2d1: {  	v4 =	vld [tilespmem:s25+$0xFFFFFEB0]  }
0x2d2: {  	v5 =	vld [tilespmem:s25+$0xFFFFFEF0]  }
0x2d3: {  	v0 =	vadd.f32 v1, v0;
	v1 =	vld [tilespmem:s25+$0xFFFFFF30]  }
0x2d4: {  	v6 =	vld [tilespmem:s25+$0xFFFFFF70]  }
0x2d5: {  	v0 =	vadd.f32 v2, v0;
	v2 =	vld [tilespmem:s25+$0xFFFFFFB0]  }
0x2d6: {  	v7 =	vld [tilespmem:s25+$0xFFFFFFF0]  }
0x2d7: {  	v0 =	vadd.f32 v3, v0;
	v3 =	vld [tilespmem:s25+$0x30]  }
0x2d8: {  	v8 =	vld [tilespmem:s25+$0x70]  }
0x2d9: {  	v0 =	vadd.f32 v4, v0;
	v4 =	vld [tilespmem:s25+$0xB0]  }
0x2da: {  	v9 =	vld [tilespmem:s25+$0xF0]  }
0x2db: {  	v0 =	vadd.f32 v5, v0;
	v5 =	vld [tilespmem:s25+$0x130]  }
0x2dc: {  	v10 =	vld [tilespmem:s25+$0x170]  }
0x2dd: {  	v0 =	vadd.f32 v1, v0;
	v11 =	vld [tilespmem:s25+$0x1B0]  }
0x2de: {  	v12 =	vld [tilespmem:s25+$0x1F0]  }
0x2df: {  	v6 =	vadd.f32 v6, v0;
	v1 =	vld [tilespmem:s25+$0x230]  }
0x2e0: {  	v0 =	vld [tilespmem:s25+$0x270]  }
0x2e1: {  	v2 =	vadd.f32 v2, v6;
	_ =	sdelay $0x1  }
0x2e2: {  	v2 =	vadd.f32 v7, v2;
	_ =	sdelay $0x1  }
0x2e3: {  	v2 =	vadd.f32 v3, v2;
	_ =	sdelay $0x1  }
0x2e4: {  	v2 =	vadd.f32 v8, v2;
	_ =	sdelay $0x1  }
0x2e5: {  	v2 =	vadd.f32 v4, v2;
	_ =	sdelay $0x1  }
0x2e6: {  	v2 =	vadd.f32 v9, v2;
	_ =	sdelay $0x1  }
0x2e7: {  	v2 =	vadd.f32 v5, v2;
	_ =	sdelay $0x1  }
.Ltmp1:
0x2e8: {  	v2 =	vadd.f32 v10, v2;
	(pc) =	sbr.rel @p0 .LBB2_4-.Ltmp1, $3  }
0x2e9: {  	_ = 	snop  }
0x2ea: {  	v2 =	vadd.f32 v11, v2;
	_ =	sdelay $0x1  }
0x2eb: {  	v2 =	vadd.f32 v12, v2  }
0x2ec: {  	_ = 	snop  }
0x2ed: {  	v1 =	vadd.f32 v1, v2;
	_ =	sdelay $0x1  }
0x2ee: {  	s23 =	sadd.s32 $0x1, s23;
	v0 =	vadd.f32 v0, v1  }
0x2ef: {  	p0 =	sne.s32 s23, s6  }
.Ltmp2:
0x2f0: {  	[tilespmem:s29+$0x15A30] =	vst v0;
	(pc) =	sbr.rel @p0 .LBB2_1-.Ltmp2, $4  }
0x2f1: {  	[hbm4b:s5+s2] =	stream.linear.scatter [tilespmem:s21], [sflag:$0x2], $0x2000, $0x38;
	[tilespmem:$0x16A00] =	vst v63  }
0x2f2: {  	_ =	swait.ge [sflag:s7], $0x2000  }
0x2f3: {  	[sflag:s7] =	ssyncset.done $0x0  }
0x2f4: {  	[sflag:s7] =	ssyncadd.s32 $0xFFFFE000  }
0x2f5: {  	_ =	sfence.sel $0x180000  }
0x2f6: {  	[bflag:$0x0] =	sbarrier.arrive $0xFFFF  }
0x2f7: {  	_ =	strace $0x90000047  }
0x2f8: {  	s0 =	stileid.u32;
	[bflag:$0x2] =	sbarrier.arrive $0xFFFF  }
0x2f9: {  	p0 =	sne.s32 s0, $0x0;
	s0 =	rddreg [dreg:$0x1]  }
0x2fa: {  	s0 =	sadd.s32 @!p0 $0x100000, s0  }
0x2fb: {  	[sflag:s0] =	ssyncadd.tile.s32 @!p0 $0x1;
	_ =	shalt  }
.Lfunc_end2:
_tile_overlayer_lowered:
.L_overlay_start_2:
0x2fc: {  	(tag) =	ssettag $0x2  }
0x2fd: {  	s0 =	rddreg [dreg:$0x0];
	s2 =	stileid.u32  }
0x2fe: {  	s1 =	rddreg [dreg:$0x1];
	p0 =	sne.s32 s2, $0x0  }
0x2ff: {  	s3 =	rddreg [dreg:$0x2];
	[bflag:$0x3] =	sbarrier.arrive $0xFFFF;
	s2 =	simm.s32 @!p0 $0x1C02  }
0x300: {  	[timem:s3], [sflag:s2] =	dma.local @!p0 [hbm:s0], s1  }
0x301: {  	s0 =	simm.s32 @!p0 $0x2  }
0x302: {  	_ =	swait.ge @!p0 [sflag:s0], s1  }
0x303: {  	s1 =	ssub.s32 @!p0 $0x0, s1;
	[sflag:s0] =	ssyncset.done @!p0 $0x0  }
0x304: {  	[sflag:s0] =	ssyncadd.s32 @!p0 s1  }
0x305: {  	[bflag:$0x3] =	sbarrier.arrive $0xFFFF  }
0x306: {  	_ =	shalt  }

</sc_bundles>
